<compile_context>
chip_gen: v7x
topology: tpu7x:2x2x1
jax: 0.10.2.dev20260603
libtpu: 0.0.44.dev20260713+nightly
codegen_flags: <defaults>
</compile_context>

<pallas_src>
import dataclasses
import functools

import jax
import jax.numpy as jnp
from jax import lax
from jax.experimental import pallas as pl
from jax.experimental.pallas import tpu as pltpu
from jax.experimental.pallas import tpu_sc as plsc

_L = 16
_NC = 2
_NS = 16
_NW = _NC * _NS
_SLAB = 32
_CB = 1024


@functools.lru_cache(maxsize=None)
def _make_one_hot_sc(batch: int, depth: int):
    nblk = batch // _CB
    nvec = _CB // _L

    mesh = plsc.VectorSubcoreMesh(core_axis_name="c", subcore_axis_name="s")

    cparams = pltpu.CompilerParams()
    if "needs_layout_passes" in pltpu.CompilerParams.__dataclass_fields__:
        cparams = dataclasses.replace(cparams, needs_layout_passes=False)
    if "use_tc_tiling_on_sc" in pltpu.CompilerParams.__dataclass_fields__:
        cparams = dataclasses.replace(cparams, use_tc_tiling_on_sc=True)

    @functools.partial(
        pl.kernel,
        out_type=jax.ShapeDtypeStruct((depth, batch), jnp.float32),
        mesh=mesh,
        compiler_params=cparams,
        scratch_types=[
            pltpu.VMEM((batch,), jnp.int32),
            pltpu.VMEM((_SLAB, _CB), jnp.float32),
            pltpu.VMEM((_SLAB, _CB), jnp.float32),
            pltpu.SemaphoreType.DMA,
            pltpu.SemaphoreType.DMA,
            pltpu.SemaphoreType.DMA,
        ],
    )
    def kern(x_hbm, o_hbm, idx_v, buf0, buf1, sem0, sem1, isem):
        wid = lax.axis_index("s") * _NC + lax.axis_index("c")
        c0 = wid * _SLAB
        c1 = jnp.minimum(c0 + _SLAB, depth)
        slab_sz = (c1 - c0).astype(jnp.uint32)
        idx_cp = pltpu.make_async_copy(x_hbm, idx_v, isem)
        idx_cp.start()

        zeros = jnp.zeros((_L,), jnp.float32)
        ones = jnp.ones((_L,), jnp.float32)
        lane = lax.iota(jnp.int32, _L)
        bufs = (buf0, buf1)
        sems = (sem0, sem1)
        nring = len(bufs)

        def zero_init(buf):
            @pl.loop(0, _SLAB)
            def _(r, buf=buf):
                for c in range(_CB // _L):
                    buf[r, pl.ds(c * _L, _L)] = zeros

        def scan_scatter(buf, blk, val):
            @pl.loop(0, nvec)
            def _(j, buf=buf, blk=blk, val=val):
                v = idx_v[pl.ds(blk * _CB + j * _L, _L)]
                rows = v - c0
                in_slab = plsc.bitcast(rows, jnp.uint32) < slab_sz
                plsc.store_scatter(
                    buf, [rows, j * _L + lane], val, mask=in_slab)

        def each_dma(buf, sem, blk, fn):
            for s in range(_SLAB // 8):
                @pl.when(c0 + 8 * s < depth)
                def _(s=s):
                    fn(pltpu.make_async_copy(
                        buf.at[pl.ds(8 * s, 8)],
                        o_hbm.at[pl.ds(c0 + 8 * s, 8),
                                 pl.ds(blk * _CB, _CB)],
                        sem,
                    ))

        def fill_and_send(buf, sem, blk):
            scan_scatter(buf, blk, ones)
            each_dma(buf, sem, blk, lambda cp: cp.start())

        def reclaim(buf, sem, blk):
            each_dma(buf, sem, blk, lambda cp: cp.wait())
            scan_scatter(buf, blk, zeros)

        nsteady = ((nblk - nring) // nring) * nring
        for h in range(nring):
            zero_init(bufs[h])
            if h == 0:
                idx_cp.wait()
            fill_and_send(bufs[h], sems[h], h)

        @pl.loop(nring, nring + nsteady, step=nring)
        def _(g):
            for h in range(nring):
                reclaim(bufs[h], sems[h], g + h - nring)
                fill_and_send(bufs[h], sems[h], g + h)

        for blk in range(nring + nsteady, nblk):
            h = blk % nring
            reclaim(bufs[h], sems[h], blk - nring)
            fill_and_send(bufs[h], sems[h], blk)
        for blk in range(nblk - nring, nblk):
            h = blk % nring
            each_dma(bufs[h], sems[h], blk, lambda cp: cp.wait())

    return kern


def kernel(X_in, ones):
    batch = X_in.shape[0]
    depth = ones.shape[0]
    out_t = _make_one_hot_sc(batch, depth)(X_in.astype(jnp.int32))
    return out_t.T

# --- scband reference (transcript-rebuilt; emitter-appended) ---
"""Pipeline reference for scband-one-hot-16449724745022 (READ-ONLY COPY).

The authoritative reference and input builder live on the scoring server;
editing this copy changes nothing except your own understanding.
"""

import jax, jax.numpy as jnp
import numpy as np

DEPTH = 1000
BATCH = 16384

def setup_inputs(seed: int = 0) -> dict:
    key = jax.random.key(seed)
    X_in = jax.random.randint(key, (BATCH,), 0, DEPTH)
    # learned/buffer parameter: identity matrix (self.ones = torch.eye(depth))
    ones = jnp.eye(DEPTH, dtype=jnp.float32)
    return {"X_in": X_in, "ones": ones}

def reference(X_in, ones):
    # torch: self.ones.index_select(0, X_in.long())
    X_in = X_in.astype(jnp.int64)
    return jnp.take(ones, X_in, axis=0)

if __name__ == "__main__":
    import jax
    _d = setup_inputs()
    print(jax.jit(kernel)(*tuple(_d.values())))

</pallas_src>

<mosaic_0001>
#map = affine_map<(d0, d1) -> (0)>
#map1 = affine_map<(d0, d1) -> (0, 0)>
module attributes {stable_mosaic.version = 14 : i64} {
  func.func @kern(%arg0: i32, %arg1: i32, %arg2: memref<16384xi32, #tpu.memory_space<hbm>>, %arg3: memref<1000x16384xf32, #tpu.memory_space<hbm>>, %arg4: memref<16384xi32, #tpu.memory_space<vmem>>, %arg5: memref<32x1024xf32, #tpu.memory_space<vmem>>, %arg6: memref<32x1024xf32, #tpu.memory_space<vmem>>, %arg7: memref<!tpu.dma_semaphore, #tpu.memory_space<semaphore_mem>>, %arg8: memref<!tpu.dma_semaphore, #tpu.memory_space<semaphore_mem>>, %arg9: memref<!tpu.dma_semaphore, #tpu.memory_space<semaphore_mem>>) attributes {dimension_semantics = [#tpu.dimension_semantics<core_parallel>, #tpu.dimension_semantics<subcore_parallel>], iteration_bounds = array<i64: 2, 16>, scalar_prefetch = 0 : i64, scratch_operands = 6 : i64, tpu.core_type = #tpu.core_type<sc_vector_subcore>, window_params = [{transform_indices = #map}, {transform_indices = #map1}]} {
    %mul3A = arith.constant 2 : i32
    %mul3A_0 = arith.muli %arg1, %mul3A : i32
    %add3A = arith.addi %mul3A_0, %arg0 : i32
    %mul3A_1 = arith.constant 32 : i32
    %mul3A_2 = arith.muli %add3A, %mul3A_1 : i32
    %add3A_3 = arith.constant 32 : i32
    %add3A_4 = arith.addi %mul3A_2, %add3A_3 : i32
    %min3A = arith.constant 1000 : i32
    %min3A_5 = arith.minsi %add3A_4, %min3A : i32
    %sub3A = arith.subi %min3A_5, %mul3A_2 : i32
    tpu.enqueue_dma source(%arg2 : memref<16384xi32, #tpu.memory_space<hbm>>) target(%arg4 : memref<16384xi32, #tpu.memory_space<vmem>>) target_semaphore(%arg9 : memref<!tpu.dma_semaphore, #tpu.memory_space<semaphore_mem>>)
    %broadcast_in_dim3A = arith.constant 0.000000e+00 : f32
    %broadcast_in_dim3A_6 = vector.broadcast %broadcast_in_dim3A : f32 to vector<16xf32>
    %broadcast_in_dim3A_7 = arith.constant 1.000000e+00 : f32
    %broadcast_in_dim3A_8 = vector.broadcast %broadcast_in_dim3A_7 : f32 to vector<16xf32>
    %iota3A = tpu.iota {dimensions = array<i32: 0>} : vector<16xi32>
    %scan3A = arith.constant 0 : i32
    %scan3A_9 = arith.constant 32 : i32
    %scan3A_10 = arith.addi %scan3A, %scan3A_9 : i32
    %scan3A_11 = arith.constant 1 : i32
    scf.for %scan3A_142 = %scan3A to %scan3A_10 step %scan3A_11  : i32 {
      %mul3A_143 = arith.constant 1 : i32
      %mul3A_144 = arith.muli %scan3A_142, %mul3A_143 : i32
      %add3A_145 = arith.constant 0 : i32
      %add3A_146 = arith.addi %add3A_145, %mul3A_144 : i32
      %swap3A = arith.index_cast %add3A_146 : i32 to index
      %swap3A_147 = arith.constant 0 : index
      %swap3A_148 = tpu.vector_load %arg5[%swap3A, %swap3A_147] {strides = array<i32>} : memref<32x1024xf32, #tpu.memory_space<vmem>>, vector<16xf32>,
      tpu.vector_store %arg5[%swap3A, %swap3A_147], %broadcast_in_dim3A_6 {strides = array<i32>} : memref<32x1024xf32, #tpu.memory_space<vmem>>, vector<16xf32>,
      %swap3A_149 = arith.index_cast %add3A_146 : i32 to index
      %swap3A_150 = arith.constant 16 : index
      %swap3A_151 = tpu.vector_load %arg5[%swap3A_149, %swap3A_150] {strides = array<i32>} : memref<32x1024xf32, #tpu.memory_space<vmem>>, vector<16xf32>,
      tpu.vector_store %arg5[%swap3A_149, %swap3A_150], %broadcast_in_dim3A_6 {strides = array<i32>} : memref<32x1024xf32, #tpu.memory_space<vmem>>, vector<16xf32>,
      %swap3A_152 = arith.index_cast %add3A_146 : i32 to index
      %swap3A_153 = arith.constant 32 : index
      %swap3A_154 = tpu.vector_load %arg5[%swap3A_152, %swap3A_153] {strides = array<i32>} : memref<32x1024xf32, #tpu.memory_space<vmem>>, vector<16xf32>,
      tpu.vector_store %arg5[%swap3A_152, %swap3A_153], %broadcast_in_dim3A_6 {strides = array<i32>} : memref<32x1024xf32, #tpu.memory_space<vmem>>, vector<16xf32>,
      %swap3A_155 = arith.index_cast %add3A_146 : i32 to index
      %swap3A_156 = arith.constant 48 : index
      %swap3A_157 = tpu.vector_load %arg5[%swap3A_155, %swap3A_156] {strides = array<i32>} : memref<32x1024xf32, #tpu.memory_space<vmem>>, vector<16xf32>,
      tpu.vector_store %arg5[%swap3A_155, %swap3A_156], %broadcast_in_dim3A_6 {strides = array<i32>} : memref<32x1024xf32, #tpu.memory_space<vmem>>, vector<16xf32>,
      %swap3A_158 = arith.index_cast %add3A_146 : i32 to index
      %swap3A_159 = arith.constant 64 : index
      %swap3A_160 = tpu.vector_load %arg5[%swap3A_158, %swap3A_159] {strides = array<i32>} : memref<32x1024xf32, #tpu.memory_space<vmem>>, vector<16xf32>,
      tpu.vector_store %arg5[%swap3A_158, %swap3A_159], %broadcast_in_dim3A_6 {strides = array<i32>} : memref<32x1024xf32, #tpu.memory_space<vmem>>, vector<16xf32>,
      %swap3A_161 = arith.index_cast %add3A_146 : i32 to index
      %swap3A_162 = arith.constant 80 : index
      %swap3A_163 = tpu.vector_load %arg5[%swap3A_161, %swap3A_162] {strides = array<i32>} : memref<32x1024xf32, #tpu.memory_space<vmem>>, vector<16xf32>,
      tpu.vector_store %arg5[%swap3A_161, %swap3A_162], %broadcast_in_dim3A_6 {strides = array<i32>} : memref<32x1024xf32, #tpu.memory_space<vmem>>, vector<16xf32>,
      %swap3A_164 = arith.index_cast %add3A_146 : i32 to index
      %swap3A_165 = arith.constant 96 : index
      %swap3A_166 = tpu.vector_load %arg5[%swap3A_164, %swap3A_165] {strides = array<i32>} : memref<32x1024xf32, #tpu.memory_space<vmem>>, vector<16xf32>,
      tpu.vector_store %arg5[%swap3A_164, %swap3A_165], %broadcast_in_dim3A_6 {strides = array<i32>} : memref<32x1024xf32, #tpu.memory_space<vmem>>, vector<16xf32>,
      %swap3A_167 = arith.index_cast %add3A_146 : i32 to index
      %swap3A_168 = arith.constant 112 : index
      %swap3A_169 = tpu.vector_load %arg5[%swap3A_167, %swap3A_168] {strides = array<i32>} : memref<32x1024xf32, #tpu.memory_space<vmem>>, vector<16xf32>,
      tpu.vector_store %arg5[%swap3A_167, %swap3A_168], %broadcast_in_dim3A_6 {strides = array<i32>} : memref<32x1024xf32, #tpu.memory_space<vmem>>, vector<16xf32>,
      %swap3A_170 = arith.index_cast %add3A_146 : i32 to index
      %swap3A_171 = arith.constant 128 : index
      %swap3A_172 = tpu.vector_load %arg5[%swap3A_170, %swap3A_171] {strides = array<i32>} : memref<32x1024xf32, #tpu.memory_space<vmem>>, vector<16xf32>,
      tpu.vector_store %arg5[%swap3A_170, %swap3A_171], %broadcast_in_dim3A_6 {strides = array<i32>} : memref<32x1024xf32, #tpu.memory_space<vmem>>, vector<16xf32>,
      %swap3A_173 = arith.index_cast %add3A_146 : i32 to index
      %swap3A_174 = arith.constant 144 : index
      %swap3A_175 = tpu.vector_load %arg5[%swap3A_173, %swap3A_174] {strides = array<i32>} : memref<32x1024xf32, #tpu.memory_space<vmem>>, vector<16xf32>,
      tpu.vector_store %arg5[%swap3A_173, %swap3A_174], %broadcast_in_dim3A_6 {strides = array<i32>} : memref<32x1024xf32, #tpu.memory_space<vmem>>, vector<16xf32>,
      %swap3A_176 = arith.index_cast %add3A_146 : i32 to index
      %swap3A_177 = arith.constant 160 : index
      %swap3A_178 = tpu.vector_load %arg5[%swap3A_176, %swap3A_177] {strides = array<i32>} : memref<32x1024xf32, #tpu.memory_space<vmem>>, vector<16xf32>,
      tpu.vector_store %arg5[%swap3A_176, %swap3A_177], %broadcast_in_dim3A_6 {strides = array<i32>} : memref<32x1024xf32, #tpu.memory_space<vmem>>, vector<16xf32>,
      %swap3A_179 = arith.index_cast %add3A_146 : i32 to index
      %swap3A_180 = arith.constant 176 : index
      %swap3A_181 = tpu.vector_load %arg5[%swap3A_179, %swap3A_180] {strides = array<i32>} : memref<32x1024xf32, #tpu.memory_space<vmem>>, vector<16xf32>,
      tpu.vector_store %arg5[%swap3A_179, %swap3A_180], %broadcast_in_dim3A_6 {strides = array<i32>} : memref<32x1024xf32, #tpu.memory_space<vmem>>, vector<16xf32>,
      %swap3A_182 = arith.index_cast %add3A_146 : i32 to index
      %swap3A_183 = arith.constant 192 : index
      %swap3A_184 = tpu.vector_load %arg5[%swap3A_182, %swap3A_183] {strides = array<i32>} : memref<32x1024xf32, #tpu.memory_space<vmem>>, vector<16xf32>,
      tpu.vector_store %arg5[%swap3A_182, %swap3A_183], %broadcast_in_dim3A_6 {strides = array<i32>} : memref<32x1024xf32, #tpu.memory_space<vmem>>, vector<16xf32>,
      %swap3A_185 = arith.index_cast %add3A_146 : i32 to index
      %swap3A_186 = arith.constant 208 : index
      %swap3A_187 = tpu.vector_load %arg5[%swap3A_185, %swap3A_186] {strides = array<i32>} : memref<32x1024xf32, #tpu.memory_space<vmem>>, vector<16xf32>,
      tpu.vector_store %arg5[%swap3A_185, %swap3A_186], %broadcast_in_dim3A_6 {strides = array<i32>} : memref<32x1024xf32, #tpu.memory_space<vmem>>, vector<16xf32>,
      %swap3A_188 = arith.index_cast %add3A_146 : i32 to index
      %swap3A_189 = arith.constant 224 : index
      %swap3A_190 = tpu.vector_load %arg5[%swap3A_188, %swap3A_189] {strides = array<i32>} : memref<32x1024xf32, #tpu.memory_space<vmem>>, vector<16xf32>,
      tpu.vector_store %arg5[%swap3A_188, %swap3A_189], %broadcast_in_dim3A_6 {strides = array<i32>} : memref<32x1024xf32, #tpu.memory_space<vmem>>, vector<16xf32>,
      %swap3A_191 = arith.index_cast %add3A_146 : i32 to index
      %swap3A_192 = arith.constant 240 : index
      %swap3A_193 = tpu.vector_load %arg5[%swap3A_191, %swap3A_192] {strides = array<i32>} : memref<32x1024xf32, #tpu.memory_space<vmem>>, vector<16xf32>,
      tpu.vector_store %arg5[%swap3A_191, %swap3A_192], %broadcast_in_dim3A_6 {strides = array<i32>} : memref<32x1024xf32, #tpu.memory_space<vmem>>, vector<16xf32>,
      %swap3A_194 = arith.index_cast %add3A_146 : i32 to index
      %swap3A_195 = arith.constant 256 : index
      %swap3A_196 = tpu.vector_load %arg5[%swap3A_194, %swap3A_195] {strides = array<i32>} : memref<32x1024xf32, #tpu.memory_space<vmem>>, vector<16xf32>,
      tpu.vector_store %arg5[%swap3A_194, %swap3A_195], %broadcast_in_dim3A_6 {strides = array<i32>} : memref<32x1024xf32, #tpu.memory_space<vmem>>, vector<16xf32>,
      %swap3A_197 = arith.index_cast %add3A_146 : i32 to index
      %swap3A_198 = arith.constant 272 : index
      %swap3A_199 = tpu.vector_load %arg5[%swap3A_197, %swap3A_198] {strides = array<i32>} : memref<32x1024xf32, #tpu.memory_space<vmem>>, vector<16xf32>,
      tpu.vector_store %arg5[%swap3A_197, %swap3A_198], %broadcast_in_dim3A_6 {strides = array<i32>} : memref<32x1024xf32, #tpu.memory_space<vmem>>, vector<16xf32>,
      %swap3A_200 = arith.index_cast %add3A_146 : i32 to index
      %swap3A_201 = arith.constant 288 : index
      %swap3A_202 = tpu.vector_load %arg5[%swap3A_200, %swap3A_201] {strides = array<i32>} : memref<32x1024xf32, #tpu.memory_space<vmem>>, vector<16xf32>,
      tpu.vector_store %arg5[%swap3A_200, %swap3A_201], %broadcast_in_dim3A_6 {strides = array<i32>} : memref<32x1024xf32, #tpu.memory_space<vmem>>, vector<16xf32>,
      %swap3A_203 = arith.index_cast %add3A_146 : i32 to index
      %swap3A_204 = arith.constant 304 : index
      %swap3A_205 = tpu.vector_load %arg5[%swap3A_203, %swap3A_204] {strides = array<i32>} : memref<32x1024xf32, #tpu.memory_space<vmem>>, vector<16xf32>,
      tpu.vector_store %arg5[%swap3A_203, %swap3A_204], %broadcast_in_dim3A_6 {strides = array<i32>} : memref<32x1024xf32, #tpu.memory_space<vmem>>, vector<16xf32>,
      %swap3A_206 = arith.index_cast %add3A_146 : i32 to index
      %swap3A_207 = arith.constant 320 : index
      %swap3A_208 = tpu.vector_load %arg5[%swap3A_206, %swap3A_207] {strides = array<i32>} : memref<32x1024xf32, #tpu.memory_space<vmem>>, vector<16xf32>,
      tpu.vector_store %arg5[%swap3A_206, %swap3A_207], %broadcast_in_dim3A_6 {strides = array<i32>} : memref<32x1024xf32, #tpu.memory_space<vmem>>, vector<16xf32>,
      %swap3A_209 = arith.index_cast %add3A_146 : i32 to index
      %swap3A_210 = arith.constant 336 : index
      %swap3A_211 = tpu.vector_load %arg5[%swap3A_209, %swap3A_210] {strides = array<i32>} : memref<32x1024xf32, #tpu.memory_space<vmem>>, vector<16xf32>,
      tpu.vector_store %arg5[%swap3A_209, %swap3A_210], %broadcast_in_dim3A_6 {strides = array<i32>} : memref<32x1024xf32, #tpu.memory_space<vmem>>, vector<16xf32>,
      %swap3A_212 = arith.index_cast %add3A_146 : i32 to index
      %swap3A_213 = arith.constant 352 : index
      %swap3A_214 = tpu.vector_load %arg5[%swap3A_212, %swap3A_213] {strides = array<i32>} : memref<32x1024xf32, #tpu.memory_space<vmem>>, vector<16xf32>,
      tpu.vector_store %arg5[%swap3A_212, %swap3A_213], %broadcast_in_dim3A_6 {strides = array<i32>} : memref<32x1024xf32, #tpu.memory_space<vmem>>, vector<16xf32>,
      %swap3A_215 = arith.index_cast %add3A_146 : i32 to index
      %swap3A_216 = arith.constant 368 : index
      %swap3A_217 = tpu.vector_load %arg5[%swap3A_215, %swap3A_216] {strides = array<i32>} : memref<32x1024xf32, #tpu.memory_space<vmem>>, vector<16xf32>,
      tpu.vector_store %arg5[%swap3A_215, %swap3A_216], %broadcast_in_dim3A_6 {strides = array<i32>} : memref<32x1024xf32, #tpu.memory_space<vmem>>, vector<16xf32>,
      %swap3A_218 = arith.index_cast %add3A_146 : i32 to index
      %swap3A_219 = arith.constant 384 : index
      %swap3A_220 = tpu.vector_load %arg5[%swap3A_218, %swap3A_219] {strides = array<i32>} : memref<32x1024xf32, #tpu.memory_space<vmem>>, vector<16xf32>,
      tpu.vector_store %arg5[%swap3A_218, %swap3A_219], %broadcast_in_dim3A_6 {strides = array<i32>} : memref<32x1024xf32, #tpu.memory_space<vmem>>, vector<16xf32>,
      %swap3A_221 = arith.index_cast %add3A_146 : i32 to index
      %swap3A_222 = arith.constant 400 : index
      %swap3A_223 = tpu.vector_load %arg5[%swap3A_221, %swap3A_222] {strides = array<i32>} : memref<32x1024xf32, #tpu.memory_space<vmem>>, vector<16xf32>,
      tpu.vector_store %arg5[%swap3A_221, %swap3A_222], %broadcast_in_dim3A_6 {strides = array<i32>} : memref<32x1024xf32, #tpu.memory_space<vmem>>, vector<16xf32>,
      %swap3A_224 = arith.index_cast %add3A_146 : i32 to index
      %swap3A_225 = arith.constant 416 : index
      %swap3A_226 = tpu.vector_load %arg5[%swap3A_224, %swap3A_225] {strides = array<i32>} : memref<32x1024xf32, #tpu.memory_space<vmem>>, vector<16xf32>,
      tpu.vector_store %arg5[%swap3A_224, %swap3A_225], %broadcast_in_dim3A_6 {strides = array<i32>} : memref<32x1024xf32, #tpu.memory_space<vmem>>, vector<16xf32>,
      %swap3A_227 = arith.index_cast %add3A_146 : i32 to index
      %swap3A_228 = arith.constant 432 : index
      %swap3A_229 = tpu.vector_load %arg5[%swap3A_227, %swap3A_228] {strides = array<i32>} : memref<32x1024xf32, #tpu.memory_space<vmem>>, vector<16xf32>,
      tpu.vector_store %arg5[%swap3A_227, %swap3A_228], %broadcast_in_dim3A_6 {strides = array<i32>} : memref<32x1024xf32, #tpu.memory_space<vmem>>, vector<16xf32>,
      %swap3A_230 = arith.index_cast %add3A_146 : i32 to index
      %swap3A_231 = arith.constant 448 : index
      %swap3A_232 = tpu.vector_load %arg5[%swap3A_230, %swap3A_231] {strides = array<i32>} : memref<32x1024xf32, #tpu.memory_space<vmem>>, vector<16xf32>,
      tpu.vector_store %arg5[%swap3A_230, %swap3A_231], %broadcast_in_dim3A_6 {strides = array<i32>} : memref<32x1024xf32, #tpu.memory_space<vmem>>, vector<16xf32>,
      %swap3A_233 = arith.index_cast %add3A_146 : i32 to index
      %swap3A_234 = arith.constant 464 : index
      %swap3A_235 = tpu.vector_load %arg5[%swap3A_233, %swap3A_234] {strides = array<i32>} : memref<32x1024xf32, #tpu.memory_space<vmem>>, vector<16xf32>,
      tpu.vector_store %arg5[%swap3A_233, %swap3A_234], %broadcast_in_dim3A_6 {strides = array<i32>} : memref<32x1024xf32, #tpu.memory_space<vmem>>, vector<16xf32>,
      %swap3A_236 = arith.index_cast %add3A_146 : i32 to index
      %swap3A_237 = arith.constant 480 : index
      %swap3A_238 = tpu.vector_load %arg5[%swap3A_236, %swap3A_237] {strides = array<i32>} : memref<32x1024xf32, #tpu.memory_space<vmem>>, vector<16xf32>,
      tpu.vector_store %arg5[%swap3A_236, %swap3A_237], %broadcast_in_dim3A_6 {strides = array<i32>} : memref<32x1024xf32, #tpu.memory_space<vmem>>, vector<16xf32>,
      %swap3A_239 = arith.index_cast %add3A_146 : i32 to index
      %swap3A_240 = arith.constant 496 : index
      %swap3A_241 = tpu.vector_load %arg5[%swap3A_239, %swap3A_240] {strides = array<i32>} : memref<32x1024xf32, #tpu.memory_space<vmem>>, vector<16xf32>,
      tpu.vector_store %arg5[%swap3A_239, %swap3A_240], %broadcast_in_dim3A_6 {strides = array<i32>} : memref<32x1024xf32, #tpu.memory_space<vmem>>, vector<16xf32>,
      %swap3A_242 = arith.index_cast %add3A_146 : i32 to index
      %swap3A_243 = arith.constant 512 : index
      %swap3A_244 = tpu.vector_load %arg5[%swap3A_242, %swap3A_243] {strides = array<i32>} : memref<32x1024xf32, #tpu.memory_space<vmem>>, vector<16xf32>,
      tpu.vector_store %arg5[%swap3A_242, %swap3A_243], %broadcast_in_dim3A_6 {strides = array<i32>} : memref<32x1024xf32, #tpu.memory_space<vmem>>, vector<16xf32>,
      %swap3A_245 = arith.index_cast %add3A_146 : i32 to index
      %swap3A_246 = arith.constant 528 : index
      %swap3A_247 = tpu.vector_load %arg5[%swap3A_245, %swap3A_246] {strides = array<i32>} : memref<32x1024xf32, #tpu.memory_space<vmem>>, vector<16xf32>,
      tpu.vector_store %arg5[%swap3A_245, %swap3A_246], %broadcast_in_dim3A_6 {strides = array<i32>} : memref<32x1024xf32, #tpu.memory_space<vmem>>, vector<16xf32>,
      %swap3A_248 = arith.index_cast %add3A_146 : i32 to index
      %swap3A_249 = arith.constant 544 : index
      %swap3A_250 = tpu.vector_load %arg5[%swap3A_248, %swap3A_249] {strides = array<i32>} : memref<32x1024xf32, #tpu.memory_space<vmem>>, vector<16xf32>,
      tpu.vector_store %arg5[%swap3A_248, %swap3A_249], %broadcast_in_dim3A_6 {strides = array<i32>} : memref<32x1024xf32, #tpu.memory_space<vmem>>, vector<16xf32>,
      %swap3A_251 = arith.index_cast %add3A_146 : i32 to index
      %swap3A_252 = arith.constant 560 : index
      %swap3A_253 = tpu.vector_load %arg5[%swap3A_251, %swap3A_252] {strides = array<i32>} : memref<32x1024xf32, #tpu.memory_space<vmem>>, vector<16xf32>,
      tpu.vector_store %arg5[%swap3A_251, %swap3A_252], %broadcast_in_dim3A_6 {strides = array<i32>} : memref<32x1024xf32, #tpu.memory_space<vmem>>, vector<16xf32>,
      %swap3A_254 = arith.index_cast %add3A_146 : i32 to index
      %swap3A_255 = arith.constant 576 : index
      %swap3A_256 = tpu.vector_load %arg5[%swap3A_254, %swap3A_255] {strides = array<i32>} : memref<32x1024xf32, #tpu.memory_space<vmem>>, vector<16xf32>,
      tpu.vector_store %arg5[%swap3A_254, %swap3A_255], %broadcast_in_dim3A_6 {strides = array<i32>} : memref<32x1024xf32, #tpu.memory_space<vmem>>, vector<16xf32>,
      %swap3A_257 = arith.index_cast %add3A_146 : i32 to index
      %swap3A_258 = arith.constant 592 : index
      %swap3A_259 = tpu.vector_load %arg5[%swap3A_257, %swap3A_258] {strides = array<i32>} : memref<32x1024xf32, #tpu.memory_space<vmem>>, vector<16xf32>,
      tpu.vector_store %arg5[%swap3A_257, %swap3A_258], %broadcast_in_dim3A_6 {strides = array<i32>} : memref<32x1024xf32, #tpu.memory_space<vmem>>, vector<16xf32>,
      %swap3A_260 = arith.index_cast %add3A_146 : i32 to index
      %swap3A_261 = arith.constant 608 : index
      %swap3A_262 = tpu.vector_load %arg5[%swap3A_260, %swap3A_261] {strides = array<i32>} : memref<32x1024xf32, #tpu.memory_space<vmem>>, vector<16xf32>,
      tpu.vector_store %arg5[%swap3A_260, %swap3A_261], %broadcast_in_dim3A_6 {strides = array<i32>} : memref<32x1024xf32, #tpu.memory_space<vmem>>, vector<16xf32>,
      %swap3A_263 = arith.index_cast %add3A_146 : i32 to index
      %swap3A_264 = arith.constant 624 : index
      %swap3A_265 = tpu.vector_load %arg5[%swap3A_263, %swap3A_264] {strides = array<i32>} : memref<32x1024xf32, #tpu.memory_space<vmem>>, vector<16xf32>,
      tpu.vector_store %arg5[%swap3A_263, %swap3A_264], %broadcast_in_dim3A_6 {strides = array<i32>} : memref<32x1024xf32, #tpu.memory_space<vmem>>, vector<16xf32>,
      %swap3A_266 = arith.index_cast %add3A_146 : i32 to index
      %swap3A_267 = arith.constant 640 : index
      %swap3A_268 = tpu.vector_load %arg5[%swap3A_266, %swap3A_267] {strides = array<i32>} : memref<32x1024xf32, #tpu.memory_space<vmem>>, vector<16xf32>,
      tpu.vector_store %arg5[%swap3A_266, %swap3A_267], %broadcast_in_dim3A_6 {strides = array<i32>} : memref<32x1024xf32, #tpu.memory_space<vmem>>, vector<16xf32>,
      %swap3A_269 = arith.index_cast %add3A_146 : i32 to index
      %swap3A_270 = arith.constant 656 : index
      %swap3A_271 = tpu.vector_load %arg5[%swap3A_269, %swap3A_270] {strides = array<i32>} : memref<32x1024xf32, #tpu.memory_space<vmem>>, vector<16xf32>,
      tpu.vector_store %arg5[%swap3A_269, %swap3A_270], %broadcast_in_dim3A_6 {strides = array<i32>} : memref<32x1024xf32, #tpu.memory_space<vmem>>, vector<16xf32>,
      %swap3A_272 = arith.index_cast %add3A_146 : i32 to index
      %swap3A_273 = arith.constant 672 : index
      %swap3A_274 = tpu.vector_load %arg5[%swap3A_272, %swap3A_273] {strides = array<i32>} : memref<32x1024xf32, #tpu.memory_space<vmem>>, vector<16xf32>,
      tpu.vector_store %arg5[%swap3A_272, %swap3A_273], %broadcast_in_dim3A_6 {strides = array<i32>} : memref<32x1024xf32, #tpu.memory_space<vmem>>, vector<16xf32>,
      %swap3A_275 = arith.index_cast %add3A_146 : i32 to index
      %swap3A_276 = arith.constant 688 : index
      %swap3A_277 = tpu.vector_load %arg5[%swap3A_275, %swap3A_276] {strides = array<i32>} : memref<32x1024xf32, #tpu.memory_space<vmem>>, vector<16xf32>,
      tpu.vector_store %arg5[%swap3A_275, %swap3A_276], %broadcast_in_dim3A_6 {strides = array<i32>} : memref<32x1024xf32, #tpu.memory_space<vmem>>, vector<16xf32>,
      %swap3A_278 = arith.index_cast %add3A_146 : i32 to index
      %swap3A_279 = arith.constant 704 : index
      %swap3A_280 = tpu.vector_load %arg5[%swap3A_278, %swap3A_279] {strides = array<i32>} : memref<32x1024xf32, #tpu.memory_space<vmem>>, vector<16xf32>,
      tpu.vector_store %arg5[%swap3A_278, %swap3A_279], %broadcast_in_dim3A_6 {strides = array<i32>} : memref<32x1024xf32, #tpu.memory_space<vmem>>, vector<16xf32>,
      %swap3A_281 = arith.index_cast %add3A_146 : i32 to index
      %swap3A_282 = arith.constant 720 : index
      %swap3A_283 = tpu.vector_load %arg5[%swap3A_281, %swap3A_282] {strides = array<i32>} : memref<32x1024xf32, #tpu.memory_space<vmem>>, vector<16xf32>,
      tpu.vector_store %arg5[%swap3A_281, %swap3A_282], %broadcast_in_dim3A_6 {strides = array<i32>} : memref<32x1024xf32, #tpu.memory_space<vmem>>, vector<16xf32>,
      %swap3A_284 = arith.index_cast %add3A_146 : i32 to index
      %swap3A_285 = arith.constant 736 : index
      %swap3A_286 = tpu.vector_load %arg5[%swap3A_284, %swap3A_285] {strides = array<i32>} : memref<32x1024xf32, #tpu.memory_space<vmem>>, vector<16xf32>,
      tpu.vector_store %arg5[%swap3A_284, %swap3A_285], %broadcast_in_dim3A_6 {strides = array<i32>} : memref<32x1024xf32, #tpu.memory_space<vmem>>, vector<16xf32>,
      %swap3A_287 = arith.index_cast %add3A_146 : i32 to index
      %swap3A_288 = arith.constant 752 : index
      %swap3A_289 = tpu.vector_load %arg5[%swap3A_287, %swap3A_288] {strides = array<i32>} : memref<32x1024xf32, #tpu.memory_space<vmem>>, vector<16xf32>,
      tpu.vector_store %arg5[%swap3A_287, %swap3A_288], %broadcast_in_dim3A_6 {strides = array<i32>} : memref<32x1024xf32, #tpu.memory_space<vmem>>, vector<16xf32>,
      %swap3A_290 = arith.index_cast %add3A_146 : i32 to index
      %swap3A_291 = arith.constant 768 : index
      %swap3A_292 = tpu.vector_load %arg5[%swap3A_290, %swap3A_291] {strides = array<i32>} : memref<32x1024xf32, #tpu.memory_space<vmem>>, vector<16xf32>,
      tpu.vector_store %arg5[%swap3A_290, %swap3A_291], %broadcast_in_dim3A_6 {strides = array<i32>} : memref<32x1024xf32, #tpu.memory_space<vmem>>, vector<16xf32>,
      %swap3A_293 = arith.index_cast %add3A_146 : i32 to index
      %swap3A_294 = arith.constant 784 : index
      %swap3A_295 = tpu.vector_load %arg5[%swap3A_293, %swap3A_294] {strides = array<i32>} : memref<32x1024xf32, #tpu.memory_space<vmem>>, vector<16xf32>,
      tpu.vector_store %arg5[%swap3A_293, %swap3A_294], %broadcast_in_dim3A_6 {strides = array<i32>} : memref<32x1024xf32, #tpu.memory_space<vmem>>, vector<16xf32>,
      %swap3A_296 = arith.index_cast %add3A_146 : i32 to index
      %swap3A_297 = arith.constant 800 : index
      %swap3A_298 = tpu.vector_load %arg5[%swap3A_296, %swap3A_297] {strides = array<i32>} : memref<32x1024xf32, #tpu.memory_space<vmem>>, vector<16xf32>,
      tpu.vector_store %arg5[%swap3A_296, %swap3A_297], %broadcast_in_dim3A_6 {strides = array<i32>} : memref<32x1024xf32, #tpu.memory_space<vmem>>, vector<16xf32>,
      %swap3A_299 = arith.index_cast %add3A_146 : i32 to index
      %swap3A_300 = arith.constant 816 : index
      %swap3A_301 = tpu.vector_load %arg5[%swap3A_299, %swap3A_300] {strides = array<i32>} : memref<32x1024xf32, #tpu.memory_space<vmem>>, vector<16xf32>,
      tpu.vector_store %arg5[%swap3A_299, %swap3A_300], %broadcast_in_dim3A_6 {strides = array<i32>} : memref<32x1024xf32, #tpu.memory_space<vmem>>, vector<16xf32>,
      %swap3A_302 = arith.index_cast %add3A_146 : i32 to index
      %swap3A_303 = arith.constant 832 : index
      %swap3A_304 = tpu.vector_load %arg5[%swap3A_302, %swap3A_303] {strides = array<i32>} : memref<32x1024xf32, #tpu.memory_space<vmem>>, vector<16xf32>,
      tpu.vector_store %arg5[%swap3A_302, %swap3A_303], %broadcast_in_dim3A_6 {strides = array<i32>} : memref<32x1024xf32, #tpu.memory_space<vmem>>, vector<16xf32>,
      %swap3A_305 = arith.index_cast %add3A_146 : i32 to index
      %swap3A_306 = arith.constant 848 : index
      %swap3A_307 = tpu.vector_load %arg5[%swap3A_305, %swap3A_306] {strides = array<i32>} : memref<32x1024xf32, #tpu.memory_space<vmem>>, vector<16xf32>,
      tpu.vector_store %arg5[%swap3A_305, %swap3A_306], %broadcast_in_dim3A_6 {strides = array<i32>} : memref<32x1024xf32, #tpu.memory_space<vmem>>, vector<16xf32>,
      %swap3A_308 = arith.index_cast %add3A_146 : i32 to index
      %swap3A_309 = arith.constant 864 : index
      %swap3A_310 = tpu.vector_load %arg5[%swap3A_308, %swap3A_309] {strides = array<i32>} : memref<32x1024xf32, #tpu.memory_space<vmem>>, vector<16xf32>,
      tpu.vector_store %arg5[%swap3A_308, %swap3A_309], %broadcast_in_dim3A_6 {strides = array<i32>} : memref<32x1024xf32, #tpu.memory_space<vmem>>, vector<16xf32>,
      %swap3A_311 = arith.index_cast %add3A_146 : i32 to index
      %swap3A_312 = arith.constant 880 : index
      %swap3A_313 = tpu.vector_load %arg5[%swap3A_311, %swap3A_312] {strides = array<i32>} : memref<32x1024xf32, #tpu.memory_space<vmem>>, vector<16xf32>,
      tpu.vector_store %arg5[%swap3A_311, %swap3A_312], %broadcast_in_dim3A_6 {strides = array<i32>} : memref<32x1024xf32, #tpu.memory_space<vmem>>, vector<16xf32>,
      %swap3A_314 = arith.index_cast %add3A_146 : i32 to index
      %swap3A_315 = arith.constant 896 : index
      %swap3A_316 = tpu.vector_load %arg5[%swap3A_314, %swap3A_315] {strides = array<i32>} : memref<32x1024xf32, #tpu.memory_space<vmem>>, vector<16xf32>,
      tpu.vector_store %arg5[%swap3A_314, %swap3A_315], %broadcast_in_dim3A_6 {strides = array<i32>} : memref<32x1024xf32, #tpu.memory_space<vmem>>, vector<16xf32>,
      %swap3A_317 = arith.index_cast %add3A_146 : i32 to index
      %swap3A_318 = arith.constant 912 : index
      %swap3A_319 = tpu.vector_load %arg5[%swap3A_317, %swap3A_318] {strides = array<i32>} : memref<32x1024xf32, #tpu.memory_space<vmem>>, vector<16xf32>,
      tpu.vector_store %arg5[%swap3A_317, %swap3A_318], %broadcast_in_dim3A_6 {strides = array<i32>} : memref<32x1024xf32, #tpu.memory_space<vmem>>, vector<16xf32>,
      %swap3A_320 = arith.index_cast %add3A_146 : i32 to index
      %swap3A_321 = arith.constant 928 : index
      %swap3A_322 = tpu.vector_load %arg5[%swap3A_320, %swap3A_321] {strides = array<i32>} : memref<32x1024xf32, #tpu.memory_space<vmem>>, vector<16xf32>,
      tpu.vector_store %arg5[%swap3A_320, %swap3A_321], %broadcast_in_dim3A_6 {strides = array<i32>} : memref<32x1024xf32, #tpu.memory_space<vmem>>, vector<16xf32>,
      %swap3A_323 = arith.index_cast %add3A_146 : i32 to index
      %swap3A_324 = arith.constant 944 : index
      %swap3A_325 = tpu.vector_load %arg5[%swap3A_323, %swap3A_324] {strides = array<i32>} : memref<32x1024xf32, #tpu.memory_space<vmem>>, vector<16xf32>,
      tpu.vector_store %arg5[%swap3A_323, %swap3A_324], %broadcast_in_dim3A_6 {strides = array<i32>} : memref<32x1024xf32, #tpu.memory_space<vmem>>, vector<16xf32>,
      %swap3A_326 = arith.index_cast %add3A_146 : i32 to index
      %swap3A_327 = arith.constant 960 : index
      %swap3A_328 = tpu.vector_load %arg5[%swap3A_326, %swap3A_327] {strides = array<i32>} : memref<32x1024xf32, #tpu.memory_space<vmem>>, vector<16xf32>,
      tpu.vector_store %arg5[%swap3A_326, %swap3A_327], %broadcast_in_dim3A_6 {strides = array<i32>} : memref<32x1024xf32, #tpu.memory_space<vmem>>, vector<16xf32>,
      %swap3A_329 = arith.index_cast %add3A_146 : i32 to index
      %swap3A_330 = arith.constant 976 : index
      %swap3A_331 = tpu.vector_load %arg5[%swap3A_329, %swap3A_330] {strides = array<i32>} : memref<32x1024xf32, #tpu.memory_space<vmem>>, vector<16xf32>,
      tpu.vector_store %arg5[%swap3A_329, %swap3A_330], %broadcast_in_dim3A_6 {strides = array<i32>} : memref<32x1024xf32, #tpu.memory_space<vmem>>, vector<16xf32>,
      %swap3A_332 = arith.index_cast %add3A_146 : i32 to index
      %swap3A_333 = arith.constant 992 : index
      %swap3A_334 = tpu.vector_load %arg5[%swap3A_332, %swap3A_333] {strides = array<i32>} : memref<32x1024xf32, #tpu.memory_space<vmem>>, vector<16xf32>,
      tpu.vector_store %arg5[%swap3A_332, %swap3A_333], %broadcast_in_dim3A_6 {strides = array<i32>} : memref<32x1024xf32, #tpu.memory_space<vmem>>, vector<16xf32>,
      %swap3A_335 = arith.index_cast %add3A_146 : i32 to index
      %swap3A_336 = arith.constant 1008 : index
      %swap3A_337 = tpu.vector_load %arg5[%swap3A_335, %swap3A_336] {strides = array<i32>} : memref<32x1024xf32, #tpu.memory_space<vmem>>, vector<16xf32>,
      tpu.vector_store %arg5[%swap3A_335, %swap3A_336], %broadcast_in_dim3A_6 {strides = array<i32>} : memref<32x1024xf32, #tpu.memory_space<vmem>>, vector<16xf32>,
    }
    %scan3A_12 = arith.constant 32 : i32
    tpu.wait_dma2 semaphore(%arg9 : memref<!tpu.dma_semaphore, #tpu.memory_space<semaphore_mem>>) src(%arg2 : memref<16384xi32, #tpu.memory_space<hbm>>) dst(%arg4 : memref<16384xi32, #tpu.memory_space<vmem>>)
    %scan3A_13 = arith.constant 0 : i32
    %scan3A_14 = arith.constant 64 : i32
    %scan3A_15 = arith.addi %scan3A_13, %scan3A_14 : i32
    %scan3A_16 = arith.constant 1 : i32
    scf.for %scan3A_142 = %scan3A_13 to %scan3A_15 step %scan3A_16  : i32 {
      %mul3A_143 = arith.constant 1 : i32
      %mul3A_144 = arith.muli %scan3A_142, %mul3A_143 : i32
      %add3A_145 = arith.constant 0 : i32
      %add3A_146 = arith.addi %add3A_145, %mul3A_144 : i32
      %mul3A_147 = arith.constant 16 : i32
      %mul3A_148 = arith.muli %add3A_146, %mul3A_147 : i32
      %add3A_149 = arith.constant 0 : i32
      %add3A_150 = arith.addi %add3A_149, %mul3A_148 : i32
      %get3A = arith.index_cast %add3A_150 : i32 to index
      %get3A_151 = tpu.vector_load %arg4[%get3A] {strides = array<i32>} : memref<16384xi32, #tpu.memory_space<vmem>>, vector<16xi32>,
      %sub3A_152 = vector.broadcast %mul3A_2 : i32 to vector<16xi32>
      %sub3A_153 = arith.subi %get3A_151, %sub3A_152 : vector<16xi32>
      %bitcast3A = vector.bitcast %sub3A_153 : vector<16xi32> to vector<16xi32>
      %lt3A_154 = vector.broadcast %sub3A : i32 to vector<16xi32>
      %lt3A_155 = arith.cmpi ult, %bitcast3A, %lt3A_154 : vector<16xi32>
      %mul3A_156 = arith.constant 16 : i32
      %mul3A_157 = arith.muli %add3A_146, %mul3A_156 : i32
      %add3A_158 = vector.broadcast %mul3A_157 : i32 to vector<16xi32>
      %add3A_159 = arith.addi %add3A_158, %iota3A : vector<16xi32>
      tpu.vector_store_idx %arg5[%sub3A_153, %add3A_159], %broadcast_in_dim3A_8 masked %lt3A_155 : memref<32x1024xf32, #tpu.memory_space<vmem>>[vector<16xi32>, vector<16xi32>], vector<16xf32>, vector<16xi1>
    }
    %scan3A_17 = arith.constant 64 : i32
    %add3A_18 = arith.constant 0 : i32
    %add3A_19 = arith.addi %mul3A_2, %add3A_18 : i32
    %lt3A = arith.constant 1000 : i32
    %lt3A_20 = arith.cmpi slt, %add3A_19, %lt3A : i32
    %convert_element_type3A = arith.extui %lt3A_20 : i1 to i32
    %cond3A = arith.constant 0 : i32
    %cond3A_21 = arith.cmpi ne, %convert_element_type3A, %cond3A : i32
    scf.if %cond3A_21 {
      %add3A_142 = arith.constant 0 : i32
      %add3A_143 = arith.addi %mul3A_2, %add3A_142 : i32
      %dma_start3A = arith.constant 0 : i32
      %dma_start3A_144 = arith.constant 0 : i32
      %dma_start3A_145 = tpu.memref_slice %arg5[%dma_start3A, %dma_start3A_144] : memref<32x1024xf32, #tpu.memory_space<vmem>> -> memref<8x1024xf32, #tpu.memory_space<vmem>>
      %dma_start3A_146 = arith.constant 0 : i32
      %dma_start3A_147 = tpu.memref_slice %arg3[%add3A_143, %dma_start3A_146] : memref<1000x16384xf32, #tpu.memory_space<hbm>> -> memref<8x1024xf32, #tpu.memory_space<hbm>>
      %dma_start3A_148 = arith.constant 0 : i32
      %dma_start3A_149 = tpu.memref_slice %arg3[%add3A_143, %dma_start3A_148] : memref<1000x16384xf32, #tpu.memory_space<hbm>> -> memref<8x1024xf32, #tpu.memory_space<hbm>>
      %dma_start3A_150 = arith.constant 0 : i32
      %dma_start3A_151 = arith.constant 0 : i32
      %dma_start3A_152 = tpu.memref_slice %arg5[%dma_start3A_150, %dma_start3A_151] : memref<32x1024xf32, #tpu.memory_space<vmem>> -> memref<8x1024xf32, #tpu.memory_space<vmem>>
      tpu.enqueue_dma source(%dma_start3A_152 : memref<8x1024xf32, #tpu.memory_space<vmem>>) target(%dma_start3A_149 : memref<8x1024xf32, #tpu.memory_space<hbm>>) target_semaphore(%arg7 : memref<!tpu.dma_semaphore, #tpu.memory_space<semaphore_mem>>)
    } else {
    }
    %add3A_22 = arith.constant 8 : i32
    %add3A_23 = arith.addi %mul3A_2, %add3A_22 : i32
    %lt3A_24 = arith.constant 1000 : i32
    %lt3A_25 = arith.cmpi slt, %add3A_23, %lt3A_24 : i32
    %convert_element_type3A_26 = arith.extui %lt3A_25 : i1 to i32
    %cond3A_27 = arith.constant 0 : i32
    %cond3A_28 = arith.cmpi ne, %convert_element_type3A_26, %cond3A_27 : i32
    scf.if %cond3A_28 {
      %add3A_142 = arith.constant 8 : i32
      %add3A_143 = arith.addi %mul3A_2, %add3A_142 : i32
      %dma_start3A = arith.constant 8 : i32
      %dma_start3A_144 = arith.constant 0 : i32
      %dma_start3A_145 = tpu.memref_slice %arg5[%dma_start3A, %dma_start3A_144] : memref<32x1024xf32, #tpu.memory_space<vmem>> -> memref<8x1024xf32, #tpu.memory_space<vmem>>
      %dma_start3A_146 = arith.constant 0 : i32
      %dma_start3A_147 = tpu.memref_slice %arg3[%add3A_143, %dma_start3A_146] : memref<1000x16384xf32, #tpu.memory_space<hbm>> -> memref<8x1024xf32, #tpu.memory_space<hbm>>
      %dma_start3A_148 = arith.constant 0 : i32
      %dma_start3A_149 = tpu.memref_slice %arg3[%add3A_143, %dma_start3A_148] : memref<1000x16384xf32, #tpu.memory_space<hbm>> -> memref<8x1024xf32, #tpu.memory_space<hbm>>
      %dma_start3A_150 = arith.constant 8 : i32
      %dma_start3A_151 = arith.constant 0 : i32
      %dma_start3A_152 = tpu.memref_slice %arg5[%dma_start3A_150, %dma_start3A_151] : memref<32x1024xf32, #tpu.memory_space<vmem>> -> memref<8x1024xf32, #tpu.memory_space<vmem>>
      tpu.enqueue_dma source(%dma_start3A_152 : memref<8x1024xf32, #tpu.memory_space<vmem>>) target(%dma_start3A_149 : memref<8x1024xf32, #tpu.memory_space<hbm>>) target_semaphore(%arg7 : memref<!tpu.dma_semaphore, #tpu.memory_space<semaphore_mem>>)
    } else {
    }
    %add3A_29 = arith.constant 16 : i32
    %add3A_30 = arith.addi %mul3A_2, %add3A_29 : i32
    %lt3A_31 = arith.constant 1000 : i32
    %lt3A_32 = arith.cmpi slt, %add3A_30, %lt3A_31 : i32
    %convert_element_type3A_33 = arith.extui %lt3A_32 : i1 to i32
    %cond3A_34 = arith.constant 0 : i32
    %cond3A_35 = arith.cmpi ne, %convert_element_type3A_33, %cond3A_34 : i32
    scf.if %cond3A_35 {
      %add3A_142 = arith.constant 16 : i32
      %add3A_143 = arith.addi %mul3A_2, %add3A_142 : i32
      %dma_start3A = arith.constant 16 : i32
      %dma_start3A_144 = arith.constant 0 : i32
      %dma_start3A_145 = tpu.memref_slice %arg5[%dma_start3A, %dma_start3A_144] : memref<32x1024xf32, #tpu.memory_space<vmem>> -> memref<8x1024xf32, #tpu.memory_space<vmem>>
      %dma_start3A_146 = arith.constant 0 : i32
      %dma_start3A_147 = tpu.memref_slice %arg3[%add3A_143, %dma_start3A_146] : memref<1000x16384xf32, #tpu.memory_space<hbm>> -> memref<8x1024xf32, #tpu.memory_space<hbm>>
      %dma_start3A_148 = arith.constant 0 : i32
      %dma_start3A_149 = tpu.memref_slice %arg3[%add3A_143, %dma_start3A_148] : memref<1000x16384xf32, #tpu.memory_space<hbm>> -> memref<8x1024xf32, #tpu.memory_space<hbm>>
      %dma_start3A_150 = arith.constant 16 : i32
      %dma_start3A_151 = arith.constant 0 : i32
      %dma_start3A_152 = tpu.memref_slice %arg5[%dma_start3A_150, %dma_start3A_151] : memref<32x1024xf32, #tpu.memory_space<vmem>> -> memref<8x1024xf32, #tpu.memory_space<vmem>>
      tpu.enqueue_dma source(%dma_start3A_152 : memref<8x1024xf32, #tpu.memory_space<vmem>>) target(%dma_start3A_149 : memref<8x1024xf32, #tpu.memory_space<hbm>>) target_semaphore(%arg7 : memref<!tpu.dma_semaphore, #tpu.memory_space<semaphore_mem>>)
    } else {
    }
    %add3A_36 = arith.constant 24 : i32
    %add3A_37 = arith.addi %mul3A_2, %add3A_36 : i32
    %lt3A_38 = arith.constant 1000 : i32
    %lt3A_39 = arith.cmpi slt, %add3A_37, %lt3A_38 : i32
    %convert_element_type3A_40 = arith.extui %lt3A_39 : i1 to i32
    %cond3A_41 = arith.constant 0 : i32
    %cond3A_42 = arith.cmpi ne, %convert_element_type3A_40, %cond3A_41 : i32
    scf.if %cond3A_42 {
      %add3A_142 = arith.constant 24 : i32
      %add3A_143 = arith.addi %mul3A_2, %add3A_142 : i32
      %dma_start3A = arith.constant 24 : i32
      %dma_start3A_144 = arith.constant 0 : i32
      %dma_start3A_145 = tpu.memref_slice %arg5[%dma_start3A, %dma_start3A_144] : memref<32x1024xf32, #tpu.memory_space<vmem>> -> memref<8x1024xf32, #tpu.memory_space<vmem>>
      %dma_start3A_146 = arith.constant 0 : i32
      %dma_start3A_147 = tpu.memref_slice %arg3[%add3A_143, %dma_start3A_146] : memref<1000x16384xf32, #tpu.memory_space<hbm>> -> memref<8x1024xf32, #tpu.memory_space<hbm>>
      %dma_start3A_148 = arith.constant 0 : i32
      %dma_start3A_149 = tpu.memref_slice %arg3[%add3A_143, %dma_start3A_148] : memref<1000x16384xf32, #tpu.memory_space<hbm>> -> memref<8x1024xf32, #tpu.memory_space<hbm>>
      %dma_start3A_150 = arith.constant 24 : i32
      %dma_start3A_151 = arith.constant 0 : i32
      %dma_start3A_152 = tpu.memref_slice %arg5[%dma_start3A_150, %dma_start3A_151] : memref<32x1024xf32, #tpu.memory_space<vmem>> -> memref<8x1024xf32, #tpu.memory_space<vmem>>
      tpu.enqueue_dma source(%dma_start3A_152 : memref<8x1024xf32, #tpu.memory_space<vmem>>) target(%dma_start3A_149 : memref<8x1024xf32, #tpu.memory_space<hbm>>) target_semaphore(%arg7 : memref<!tpu.dma_semaphore, #tpu.memory_space<semaphore_mem>>)
    } else {
    }
    %scan3A_43 = arith.constant 0 : i32
    %scan3A_44 = arith.constant 32 : i32
    %scan3A_45 = arith.addi %scan3A_43, %scan3A_44 : i32
    %scan3A_46 = arith.constant 1 : i32
    scf.for %scan3A_142 = %scan3A_43 to %scan3A_45 step %scan3A_46  : i32 {
      %mul3A_143 = arith.constant 1 : i32
      %mul3A_144 = arith.muli %scan3A_142, %mul3A_143 : i32
      %add3A_145 = arith.constant 0 : i32
      %add3A_146 = arith.addi %add3A_145, %mul3A_144 : i32
      %swap3A = arith.index_cast %add3A_146 : i32 to index
      %swap3A_147 = arith.constant 0 : index
      %swap3A_148 = tpu.vector_load %arg6[%swap3A, %swap3A_147] {strides = array<i32>} : memref<32x1024xf32, #tpu.memory_space<vmem>>, vector<16xf32>,
      tpu.vector_store %arg6[%swap3A, %swap3A_147], %broadcast_in_dim3A_6 {strides = array<i32>} : memref<32x1024xf32, #tpu.memory_space<vmem>>, vector<16xf32>,
      %swap3A_149 = arith.index_cast %add3A_146 : i32 to index
      %swap3A_150 = arith.constant 16 : index
      %swap3A_151 = tpu.vector_load %arg6[%swap3A_149, %swap3A_150] {strides = array<i32>} : memref<32x1024xf32, #tpu.memory_space<vmem>>, vector<16xf32>,
      tpu.vector_store %arg6[%swap3A_149, %swap3A_150], %broadcast_in_dim3A_6 {strides = array<i32>} : memref<32x1024xf32, #tpu.memory_space<vmem>>, vector<16xf32>,
      %swap3A_152 = arith.index_cast %add3A_146 : i32 to index
      %swap3A_153 = arith.constant 32 : index
      %swap3A_154 = tpu.vector_load %arg6[%swap3A_152, %swap3A_153] {strides = array<i32>} : memref<32x1024xf32, #tpu.memory_space<vmem>>, vector<16xf32>,
      tpu.vector_store %arg6[%swap3A_152, %swap3A_153], %broadcast_in_dim3A_6 {strides = array<i32>} : memref<32x1024xf32, #tpu.memory_space<vmem>>, vector<16xf32>,
      %swap3A_155 = arith.index_cast %add3A_146 : i32 to index
      %swap3A_156 = arith.constant 48 : index
      %swap3A_157 = tpu.vector_load %arg6[%swap3A_155, %swap3A_156] {strides = array<i32>} : memref<32x1024xf32, #tpu.memory_space<vmem>>, vector<16xf32>,
      tpu.vector_store %arg6[%swap3A_155, %swap3A_156], %broadcast_in_dim3A_6 {strides = array<i32>} : memref<32x1024xf32, #tpu.memory_space<vmem>>, vector<16xf32>,
      %swap3A_158 = arith.index_cast %add3A_146 : i32 to index
      %swap3A_159 = arith.constant 64 : index
      %swap3A_160 = tpu.vector_load %arg6[%swap3A_158, %swap3A_159] {strides = array<i32>} : memref<32x1024xf32, #tpu.memory_space<vmem>>, vector<16xf32>,
      tpu.vector_store %arg6[%swap3A_158, %swap3A_159], %broadcast_in_dim3A_6 {strides = array<i32>} : memref<32x1024xf32, #tpu.memory_space<vmem>>, vector<16xf32>,
      %swap3A_161 = arith.index_cast %add3A_146 : i32 to index
      %swap3A_162 = arith.constant 80 : index
      %swap3A_163 = tpu.vector_load %arg6[%swap3A_161, %swap3A_162] {strides = array<i32>} : memref<32x1024xf32, #tpu.memory_space<vmem>>, vector<16xf32>,
      tpu.vector_store %arg6[%swap3A_161, %swap3A_162], %broadcast_in_dim3A_6 {strides = array<i32>} : memref<32x1024xf32, #tpu.memory_space<vmem>>, vector<16xf32>,
      %swap3A_164 = arith.index_cast %add3A_146 : i32 to index
      %swap3A_165 = arith.constant 96 : index
      %swap3A_166 = tpu.vector_load %arg6[%swap3A_164, %swap3A_165] {strides = array<i32>} : memref<32x1024xf32, #tpu.memory_space<vmem>>, vector<16xf32>,
      tpu.vector_store %arg6[%swap3A_164, %swap3A_165], %broadcast_in_dim3A_6 {strides = array<i32>} : memref<32x1024xf32, #tpu.memory_space<vmem>>, vector<16xf32>,
      %swap3A_167 = arith.index_cast %add3A_146 : i32 to index
      %swap3A_168 = arith.constant 112 : index
      %swap3A_169 = tpu.vector_load %arg6[%swap3A_167, %swap3A_168] {strides = array<i32>} : memref<32x1024xf32, #tpu.memory_space<vmem>>, vector<16xf32>,
      tpu.vector_store %arg6[%swap3A_167, %swap3A_168], %broadcast_in_dim3A_6 {strides = array<i32>} : memref<32x1024xf32, #tpu.memory_space<vmem>>, vector<16xf32>,
      %swap3A_170 = arith.index_cast %add3A_146 : i32 to index
      %swap3A_171 = arith.constant 128 : index
      %swap3A_172 = tpu.vector_load %arg6[%swap3A_170, %swap3A_171] {strides = array<i32>} : memref<32x1024xf32, #tpu.memory_space<vmem>>, vector<16xf32>,
      tpu.vector_store %arg6[%swap3A_170, %swap3A_171], %broadcast_in_dim3A_6 {strides = array<i32>} : memref<32x1024xf32, #tpu.memory_space<vmem>>, vector<16xf32>,
      %swap3A_173 = arith.index_cast %add3A_146 : i32 to index
      %swap3A_174 = arith.constant 144 : index
      %swap3A_175 = tpu.vector_load %arg6[%swap3A_173, %swap3A_174] {strides = array<i32>} : memref<32x1024xf32, #tpu.memory_space<vmem>>, vector<16xf32>,
      tpu.vector_store %arg6[%swap3A_173, %swap3A_174], %broadcast_in_dim3A_6 {strides = array<i32>} : memref<32x1024xf32, #tpu.memory_space<vmem>>, vector<16xf32>,
      %swap3A_176 = arith.index_cast %add3A_146 : i32 to index
      %swap3A_177 = arith.constant 160 : index
      %swap3A_178 = tpu.vector_load %arg6[%swap3A_176, %swap3A_177] {strides = array<i32>} : memref<32x1024xf32, #tpu.memory_space<vmem>>, vector<16xf32>,
      tpu.vector_store %arg6[%swap3A_176, %swap3A_177], %broadcast_in_dim3A_6 {strides = array<i32>} : memref<32x1024xf32, #tpu.memory_space<vmem>>, vector<16xf32>,
      %swap3A_179 = arith.index_cast %add3A_146 : i32 to index
      %swap3A_180 = arith.constant 176 : index
      %swap3A_181 = tpu.vector_load %arg6[%swap3A_179, %swap3A_180] {strides = array<i32>} : memref<32x1024xf32, #tpu.memory_space<vmem>>, vector<16xf32>,
      tpu.vector_store %arg6[%swap3A_179, %swap3A_180], %broadcast_in_dim3A_6 {strides = array<i32>} : memref<32x1024xf32, #tpu.memory_space<vmem>>, vector<16xf32>,
      %swap3A_182 = arith.index_cast %add3A_146 : i32 to index
      %swap3A_183 = arith.constant 192 : index
      %swap3A_184 = tpu.vector_load %arg6[%swap3A_182, %swap3A_183] {strides = array<i32>} : memref<32x1024xf32, #tpu.memory_space<vmem>>, vector<16xf32>,
      tpu.vector_store %arg6[%swap3A_182, %swap3A_183], %broadcast_in_dim3A_6 {strides = array<i32>} : memref<32x1024xf32, #tpu.memory_space<vmem>>, vector<16xf32>,
      %swap3A_185 = arith.index_cast %add3A_146 : i32 to index
      %swap3A_186 = arith.constant 208 : index
      %swap3A_187 = tpu.vector_load %arg6[%swap3A_185, %swap3A_186] {strides = array<i32>} : memref<32x1024xf32, #tpu.memory_space<vmem>>, vector<16xf32>,
      tpu.vector_store %arg6[%swap3A_185, %swap3A_186], %broadcast_in_dim3A_6 {strides = array<i32>} : memref<32x1024xf32, #tpu.memory_space<vmem>>, vector<16xf32>,
      %swap3A_188 = arith.index_cast %add3A_146 : i32 to index
      %swap3A_189 = arith.constant 224 : index
      %swap3A_190 = tpu.vector_load %arg6[%swap3A_188, %swap3A_189] {strides = array<i32>} : memref<32x1024xf32, #tpu.memory_space<vmem>>, vector<16xf32>,
      tpu.vector_store %arg6[%swap3A_188, %swap3A_189], %broadcast_in_dim3A_6 {strides = array<i32>} : memref<32x1024xf32, #tpu.memory_space<vmem>>, vector<16xf32>,
      %swap3A_191 = arith.index_cast %add3A_146 : i32 to index
      %swap3A_192 = arith.constant 240 : index
      %swap3A_193 = tpu.vector_load %arg6[%swap3A_191, %swap3A_192] {strides = array<i32>} : memref<32x1024xf32, #tpu.memory_space<vmem>>, vector<16xf32>,
      tpu.vector_store %arg6[%swap3A_191, %swap3A_192], %broadcast_in_dim3A_6 {strides = array<i32>} : memref<32x1024xf32, #tpu.memory_space<vmem>>, vector<16xf32>,
      %swap3A_194 = arith.index_cast %add3A_146 : i32 to index
      %swap3A_195 = arith.constant 256 : index
      %swap3A_196 = tpu.vector_load %arg6[%swap3A_194, %swap3A_195] {strides = array<i32>} : memref<32x1024xf32, #tpu.memory_space<vmem>>, vector<16xf32>,
      tpu.vector_store %arg6[%swap3A_194, %swap3A_195], %broadcast_in_dim3A_6 {strides = array<i32>} : memref<32x1024xf32, #tpu.memory_space<vmem>>, vector<16xf32>,
      %swap3A_197 = arith.index_cast %add3A_146 : i32 to index
      %swap3A_198 = arith.constant 272 : index
      %swap3A_199 = tpu.vector_load %arg6[%swap3A_197, %swap3A_198] {strides = array<i32>} : memref<32x1024xf32, #tpu.memory_space<vmem>>, vector<16xf32>,
      tpu.vector_store %arg6[%swap3A_197, %swap3A_198], %broadcast_in_dim3A_6 {strides = array<i32>} : memref<32x1024xf32, #tpu.memory_space<vmem>>, vector<16xf32>,
      %swap3A_200 = arith.index_cast %add3A_146 : i32 to index
      %swap3A_201 = arith.constant 288 : index
      %swap3A_202 = tpu.vector_load %arg6[%swap3A_200, %swap3A_201] {strides = array<i32>} : memref<32x1024xf32, #tpu.memory_space<vmem>>, vector<16xf32>,
      tpu.vector_store %arg6[%swap3A_200, %swap3A_201], %broadcast_in_dim3A_6 {strides = array<i32>} : memref<32x1024xf32, #tpu.memory_space<vmem>>, vector<16xf32>,
      %swap3A_203 = arith.index_cast %add3A_146 : i32 to index
      %swap3A_204 = arith.constant 304 : index
      %swap3A_205 = tpu.vector_load %arg6[%swap3A_203, %swap3A_204] {strides = array<i32>} : memref<32x1024xf32, #tpu.memory_space<vmem>>, vector<16xf32>,
      tpu.vector_store %arg6[%swap3A_203, %swap3A_204], %broadcast_in_dim3A_6 {strides = array<i32>} : memref<32x1024xf32, #tpu.memory_space<vmem>>, vector<16xf32>,
      %swap3A_206 = arith.index_cast %add3A_146 : i32 to index
      %swap3A_207 = arith.constant 320 : index
      %swap3A_208 = tpu.vector_load %arg6[%swap3A_206, %swap3A_207] {strides = array<i32>} : memref<32x1024xf32, #tpu.memory_space<vmem>>, vector<16xf32>,
      tpu.vector_store %arg6[%swap3A_206, %swap3A_207], %broadcast_in_dim3A_6 {strides = array<i32>} : memref<32x1024xf32, #tpu.memory_space<vmem>>, vector<16xf32>,
      %swap3A_209 = arith.index_cast %add3A_146 : i32 to index
      %swap3A_210 = arith.constant 336 : index
      %swap3A_211 = tpu.vector_load %arg6[%swap3A_209, %swap3A_210] {strides = array<i32>} : memref<32x1024xf32, #tpu.memory_space<vmem>>, vector<16xf32>,
      tpu.vector_store %arg6[%swap3A_209, %swap3A_210], %broadcast_in_dim3A_6 {strides = array<i32>} : memref<32x1024xf32, #tpu.memory_space<vmem>>, vector<16xf32>,
      %swap3A_212 = arith.index_cast %add3A_146 : i32 to index
      %swap3A_213 = arith.constant 352 : index
      %swap3A_214 = tpu.vector_load %arg6[%swap3A_212, %swap3A_213] {strides = array<i32>} : memref<32x1024xf32, #tpu.memory_space<vmem>>, vector<16xf32>,
      tpu.vector_store %arg6[%swap3A_212, %swap3A_213], %broadcast_in_dim3A_6 {strides = array<i32>} : memref<32x1024xf32, #tpu.memory_space<vmem>>, vector<16xf32>,
      %swap3A_215 = arith.index_cast %add3A_146 : i32 to index
      %swap3A_216 = arith.constant 368 : index
      %swap3A_217 = tpu.vector_load %arg6[%swap3A_215, %swap3A_216] {strides = array<i32>} : memref<32x1024xf32, #tpu.memory_space<vmem>>, vector<16xf32>,
      tpu.vector_store %arg6[%swap3A_215, %swap3A_216], %broadcast_in_dim3A_6 {strides = array<i32>} : memref<32x1024xf32, #tpu.memory_space<vmem>>, vector<16xf32>,
      %swap3A_218 = arith.index_cast %add3A_146 : i32 to index
      %swap3A_219 = arith.constant 384 : index
      %swap3A_220 = tpu.vector_load %arg6[%swap3A_218, %swap3A_219] {strides = array<i32>} : memref<32x1024xf32, #tpu.memory_space<vmem>>, vector<16xf32>,
      tpu.vector_store %arg6[%swap3A_218, %swap3A_219], %broadcast_in_dim3A_6 {strides = array<i32>} : memref<32x1024xf32, #tpu.memory_space<vmem>>, vector<16xf32>,
      %swap3A_221 = arith.index_cast %add3A_146 : i32 to index
      %swap3A_222 = arith.constant 400 : index
      %swap3A_223 = tpu.vector_load %arg6[%swap3A_221, %swap3A_222] {strides = array<i32>} : memref<32x1024xf32, #tpu.memory_space<vmem>>, vector<16xf32>,
      tpu.vector_store %arg6[%swap3A_221, %swap3A_222], %broadcast_in_dim3A_6 {strides = array<i32>} : memref<32x1024xf32, #tpu.memory_space<vmem>>, vector<16xf32>,
      %swap3A_224 = arith.index_cast %add3A_146 : i32 to index
      %swap3A_225 = arith.constant 416 : index
      %swap3A_226 = tpu.vector_load %arg6[%swap3A_224, %swap3A_225] {strides = array<i32>} : memref<32x1024xf32, #tpu.memory_space<vmem>>, vector<16xf32>,
      tpu.vector_store %arg6[%swap3A_224, %swap3A_225], %broadcast_in_dim3A_6 {strides = array<i32>} : memref<32x1024xf32, #tpu.memory_space<vmem>>, vector<16xf32>,
      %swap3A_227 = arith.index_cast %add3A_146 : i32 to index
      %swap3A_228 = arith.constant 432 : index
      %swap3A_229 = tpu.vector_load %arg6[%swap3A_227, %swap3A_228] {strides = array<i32>} : memref<32x1024xf32, #tpu.memory_space<vmem>>, vector<16xf32>,
      tpu.vector_store %arg6[%swap3A_227, %swap3A_228], %broadcast_in_dim3A_6 {strides = array<i32>} : memref<32x1024xf32, #tpu.memory_space<vmem>>, vector<16xf32>,
      %swap3A_230 = arith.index_cast %add3A_146 : i32 to index
      %swap3A_231 = arith.constant 448 : index
      %swap3A_232 = tpu.vector_load %arg6[%swap3A_230, %swap3A_231] {strides = array<i32>} : memref<32x1024xf32, #tpu.memory_space<vmem>>, vector<16xf32>,
      tpu.vector_store %arg6[%swap3A_230, %swap3A_231], %broadcast_in_dim3A_6 {strides = array<i32>} : memref<32x1024xf32, #tpu.memory_space<vmem>>, vector<16xf32>,
      %swap3A_233 = arith.index_cast %add3A_146 : i32 to index
      %swap3A_234 = arith.constant 464 : index
      %swap3A_235 = tpu.vector_load %arg6[%swap3A_233, %swap3A_234] {strides = array<i32>} : memref<32x1024xf32, #tpu.memory_space<vmem>>, vector<16xf32>,
      tpu.vector_store %arg6[%swap3A_233, %swap3A_234], %broadcast_in_dim3A_6 {strides = array<i32>} : memref<32x1024xf32, #tpu.memory_space<vmem>>, vector<16xf32>,
      %swap3A_236 = arith.index_cast %add3A_146 : i32 to index
      %swap3A_237 = arith.constant 480 : index
      %swap3A_238 = tpu.vector_load %arg6[%swap3A_236, %swap3A_237] {strides = array<i32>} : memref<32x1024xf32, #tpu.memory_space<vmem>>, vector<16xf32>,
      tpu.vector_store %arg6[%swap3A_236, %swap3A_237], %broadcast_in_dim3A_6 {strides = array<i32>} : memref<32x1024xf32, #tpu.memory_space<vmem>>, vector<16xf32>,
      %swap3A_239 = arith.index_cast %add3A_146 : i32 to index
      %swap3A_240 = arith.constant 496 : index
      %swap3A_241 = tpu.vector_load %arg6[%swap3A_239, %swap3A_240] {strides = array<i32>} : memref<32x1024xf32, #tpu.memory_space<vmem>>, vector<16xf32>,
      tpu.vector_store %arg6[%swap3A_239, %swap3A_240], %broadcast_in_dim3A_6 {strides = array<i32>} : memref<32x1024xf32, #tpu.memory_space<vmem>>, vector<16xf32>,
      %swap3A_242 = arith.index_cast %add3A_146 : i32 to index
      %swap3A_243 = arith.constant 512 : index
      %swap3A_244 = tpu.vector_load %arg6[%swap3A_242, %swap3A_243] {strides = array<i32>} : memref<32x1024xf32, #tpu.memory_space<vmem>>, vector<16xf32>,
      tpu.vector_store %arg6[%swap3A_242, %swap3A_243], %broadcast_in_dim3A_6 {strides = array<i32>} : memref<32x1024xf32, #tpu.memory_space<vmem>>, vector<16xf32>,
      %swap3A_245 = arith.index_cast %add3A_146 : i32 to index
      %swap3A_246 = arith.constant 528 : index
      %swap3A_247 = tpu.vector_load %arg6[%swap3A_245, %swap3A_246] {strides = array<i32>} : memref<32x1024xf32, #tpu.memory_space<vmem>>, vector<16xf32>,
      tpu.vector_store %arg6[%swap3A_245, %swap3A_246], %broadcast_in_dim3A_6 {strides = array<i32>} : memref<32x1024xf32, #tpu.memory_space<vmem>>, vector<16xf32>,
      %swap3A_248 = arith.index_cast %add3A_146 : i32 to index
      %swap3A_249 = arith.constant 544 : index
      %swap3A_250 = tpu.vector_load %arg6[%swap3A_248, %swap3A_249] {strides = array<i32>} : memref<32x1024xf32, #tpu.memory_space<vmem>>, vector<16xf32>,
      tpu.vector_store %arg6[%swap3A_248, %swap3A_249], %broadcast_in_dim3A_6 {strides = array<i32>} : memref<32x1024xf32, #tpu.memory_space<vmem>>, vector<16xf32>,
      %swap3A_251 = arith.index_cast %add3A_146 : i32 to index
      %swap3A_252 = arith.constant 560 : index
      %swap3A_253 = tpu.vector_load %arg6[%swap3A_251, %swap3A_252] {strides = array<i32>} : memref<32x1024xf32, #tpu.memory_space<vmem>>, vector<16xf32>,
      tpu.vector_store %arg6[%swap3A_251, %swap3A_252], %broadcast_in_dim3A_6 {strides = array<i32>} : memref<32x1024xf32, #tpu.memory_space<vmem>>, vector<16xf32>,
      %swap3A_254 = arith.index_cast %add3A_146 : i32 to index
      %swap3A_255 = arith.constant 576 : index
      %swap3A_256 = tpu.vector_load %arg6[%swap3A_254, %swap3A_255] {strides = array<i32>} : memref<32x1024xf32, #tpu.memory_space<vmem>>, vector<16xf32>,
      tpu.vector_store %arg6[%swap3A_254, %swap3A_255], %broadcast_in_dim3A_6 {strides = array<i32>} : memref<32x1024xf32, #tpu.memory_space<vmem>>, vector<16xf32>,
      %swap3A_257 = arith.index_cast %add3A_146 : i32 to index
      %swap3A_258 = arith.constant 592 : index
      %swap3A_259 = tpu.vector_load %arg6[%swap3A_257, %swap3A_258] {strides = array<i32>} : memref<32x1024xf32, #tpu.memory_space<vmem>>, vector<16xf32>,
      tpu.vector_store %arg6[%swap3A_257, %swap3A_258], %broadcast_in_dim3A_6 {strides = array<i32>} : memref<32x1024xf32, #tpu.memory_space<vmem>>, vector<16xf32>,
      %swap3A_260 = arith.index_cast %add3A_146 : i32 to index
      %swap3A_261 = arith.constant 608 : index
      %swap3A_262 = tpu.vector_load %arg6[%swap3A_260, %swap3A_261] {strides = array<i32>} : memref<32x1024xf32, #tpu.memory_space<vmem>>, vector<16xf32>,
      tpu.vector_store %arg6[%swap3A_260, %swap3A_261], %broadcast_in_dim3A_6 {strides = array<i32>} : memref<32x1024xf32, #tpu.memory_space<vmem>>, vector<16xf32>,
      %swap3A_263 = arith.index_cast %add3A_146 : i32 to index
      %swap3A_264 = arith.constant 624 : index
      %swap3A_265 = tpu.vector_load %arg6[%swap3A_263, %swap3A_264] {strides = array<i32>} : memref<32x1024xf32, #tpu.memory_space<vmem>>, vector<16xf32>,
      tpu.vector_store %arg6[%swap3A_263, %swap3A_264], %broadcast_in_dim3A_6 {strides = array<i32>} : memref<32x1024xf32, #tpu.memory_space<vmem>>, vector<16xf32>,
      %swap3A_266 = arith.index_cast %add3A_146 : i32 to index
      %swap3A_267 = arith.constant 640 : index
      %swap3A_268 = tpu.vector_load %arg6[%swap3A_266, %swap3A_267] {strides = array<i32>} : memref<32x1024xf32, #tpu.memory_space<vmem>>, vector<16xf32>,
      tpu.vector_store %arg6[%swap3A_266, %swap3A_267], %broadcast_in_dim3A_6 {strides = array<i32>} : memref<32x1024xf32, #tpu.memory_space<vmem>>, vector<16xf32>,
      %swap3A_269 = arith.index_cast %add3A_146 : i32 to index
      %swap3A_270 = arith.constant 656 : index
      %swap3A_271 = tpu.vector_load %arg6[%swap3A_269, %swap3A_270] {strides = array<i32>} : memref<32x1024xf32, #tpu.memory_space<vmem>>, vector<16xf32>,
      tpu.vector_store %arg6[%swap3A_269, %swap3A_270], %broadcast_in_dim3A_6 {strides = array<i32>} : memref<32x1024xf32, #tpu.memory_space<vmem>>, vector<16xf32>,
      %swap3A_272 = arith.index_cast %add3A_146 : i32 to index
      %swap3A_273 = arith.constant 672 : index
      %swap3A_274 = tpu.vector_load %arg6[%swap3A_272, %swap3A_273] {strides = array<i32>} : memref<32x1024xf32, #tpu.memory_space<vmem>>, vector<16xf32>,
      tpu.vector_store %arg6[%swap3A_272, %swap3A_273], %broadcast_in_dim3A_6 {strides = array<i32>} : memref<32x1024xf32, #tpu.memory_space<vmem>>, vector<16xf32>,
      %swap3A_275 = arith.index_cast %add3A_146 : i32 to index
      %swap3A_276 = arith.constant 688 : index
      %swap3A_277 = tpu.vector_load %arg6[%swap3A_275, %swap3A_276] {strides = array<i32>} : memref<32x1024xf32, #tpu.memory_space<vmem>>, vector<16xf32>,
      tpu.vector_store %arg6[%swap3A_275, %swap3A_276], %broadcast_in_dim3A_6 {strides = array<i32>} : memref<32x1024xf32, #tpu.memory_space<vmem>>, vector<16xf32>,
      %swap3A_278 = arith.index_cast %add3A_146 : i32 to index
      %swap3A_279 = arith.constant 704 : index
      %swap3A_280 = tpu.vector_load %arg6[%swap3A_278, %swap3A_279] {strides = array<i32>} : memref<32x1024xf32, #tpu.memory_space<vmem>>, vector<16xf32>,
      tpu.vector_store %arg6[%swap3A_278, %swap3A_279], %broadcast_in_dim3A_6 {strides = array<i32>} : memref<32x1024xf32, #tpu.memory_space<vmem>>, vector<16xf32>,
      %swap3A_281 = arith.index_cast %add3A_146 : i32 to index
      %swap3A_282 = arith.constant 720 : index
      %swap3A_283 = tpu.vector_load %arg6[%swap3A_281, %swap3A_282] {strides = array<i32>} : memref<32x1024xf32, #tpu.memory_space<vmem>>, vector<16xf32>,
      tpu.vector_store %arg6[%swap3A_281, %swap3A_282], %broadcast_in_dim3A_6 {strides = array<i32>} : memref<32x1024xf32, #tpu.memory_space<vmem>>, vector<16xf32>,
      %swap3A_284 = arith.index_cast %add3A_146 : i32 to index
      %swap3A_285 = arith.constant 736 : index
      %swap3A_286 = tpu.vector_load %arg6[%swap3A_284, %swap3A_285] {strides = array<i32>} : memref<32x1024xf32, #tpu.memory_space<vmem>>, vector<16xf32>,
      tpu.vector_store %arg6[%swap3A_284, %swap3A_285], %broadcast_in_dim3A_6 {strides = array<i32>} : memref<32x1024xf32, #tpu.memory_space<vmem>>, vector<16xf32>,
      %swap3A_287 = arith.index_cast %add3A_146 : i32 to index
      %swap3A_288 = arith.constant 752 : index
      %swap3A_289 = tpu.vector_load %arg6[%swap3A_287, %swap3A_288] {strides = array<i32>} : memref<32x1024xf32, #tpu.memory_space<vmem>>, vector<16xf32>,
      tpu.vector_store %arg6[%swap3A_287, %swap3A_288], %broadcast_in_dim3A_6 {strides = array<i32>} : memref<32x1024xf32, #tpu.memory_space<vmem>>, vector<16xf32>,
      %swap3A_290 = arith.index_cast %add3A_146 : i32 to index
      %swap3A_291 = arith.constant 768 : index
      %swap3A_292 = tpu.vector_load %arg6[%swap3A_290, %swap3A_291] {strides = array<i32>} : memref<32x1024xf32, #tpu.memory_space<vmem>>, vector<16xf32>,
      tpu.vector_store %arg6[%swap3A_290, %swap3A_291], %broadcast_in_dim3A_6 {strides = array<i32>} : memref<32x1024xf32, #tpu.memory_space<vmem>>, vector<16xf32>,
      %swap3A_293 = arith.index_cast %add3A_146 : i32 to index
      %swap3A_294 = arith.constant 784 : index
      %swap3A_295 = tpu.vector_load %arg6[%swap3A_293, %swap3A_294] {strides = array<i32>} : memref<32x1024xf32, #tpu.memory_space<vmem>>, vector<16xf32>,
      tpu.vector_store %arg6[%swap3A_293, %swap3A_294], %broadcast_in_dim3A_6 {strides = array<i32>} : memref<32x1024xf32, #tpu.memory_space<vmem>>, vector<16xf32>,
      %swap3A_296 = arith.index_cast %add3A_146 : i32 to index
      %swap3A_297 = arith.constant 800 : index
      %swap3A_298 = tpu.vector_load %arg6[%swap3A_296, %swap3A_297] {strides = array<i32>} : memref<32x1024xf32, #tpu.memory_space<vmem>>, vector<16xf32>,
      tpu.vector_store %arg6[%swap3A_296, %swap3A_297], %broadcast_in_dim3A_6 {strides = array<i32>} : memref<32x1024xf32, #tpu.memory_space<vmem>>, vector<16xf32>,
      %swap3A_299 = arith.index_cast %add3A_146 : i32 to index
      %swap3A_300 = arith.constant 816 : index
      %swap3A_301 = tpu.vector_load %arg6[%swap3A_299, %swap3A_300] {strides = array<i32>} : memref<32x1024xf32, #tpu.memory_space<vmem>>, vector<16xf32>,
      tpu.vector_store %arg6[%swap3A_299, %swap3A_300], %broadcast_in_dim3A_6 {strides = array<i32>} : memref<32x1024xf32, #tpu.memory_space<vmem>>, vector<16xf32>,
      %swap3A_302 = arith.index_cast %add3A_146 : i32 to index
      %swap3A_303 = arith.constant 832 : index
      %swap3A_304 = tpu.vector_load %arg6[%swap3A_302, %swap3A_303] {strides = array<i32>} : memref<32x1024xf32, #tpu.memory_space<vmem>>, vector<16xf32>,
      tpu.vector_store %arg6[%swap3A_302, %swap3A_303], %broadcast_in_dim3A_6 {strides = array<i32>} : memref<32x1024xf32, #tpu.memory_space<vmem>>, vector<16xf32>,
      %swap3A_305 = arith.index_cast %add3A_146 : i32 to index
      %swap3A_306 = arith.constant 848 : index
      %swap3A_307 = tpu.vector_load %arg6[%swap3A_305, %swap3A_306] {strides = array<i32>} : memref<32x1024xf32, #tpu.memory_space<vmem>>, vector<16xf32>,
      tpu.vector_store %arg6[%swap3A_305, %swap3A_306], %broadcast_in_dim3A_6 {strides = array<i32>} : memref<32x1024xf32, #tpu.memory_space<vmem>>, vector<16xf32>,
      %swap3A_308 = arith.index_cast %add3A_146 : i32 to index
      %swap3A_309 = arith.constant 864 : index
      %swap3A_310 = tpu.vector_load %arg6[%swap3A_308, %swap3A_309] {strides = array<i32>} : memref<32x1024xf32, #tpu.memory_space<vmem>>, vector<16xf32>,
      tpu.vector_store %arg6[%swap3A_308, %swap3A_309], %broadcast_in_dim3A_6 {strides = array<i32>} : memref<32x1024xf32, #tpu.memory_space<vmem>>, vector<16xf32>,
      %swap3A_311 = arith.index_cast %add3A_146 : i32 to index
      %swap3A_312 = arith.constant 880 : index
      %swap3A_313 = tpu.vector_load %arg6[%swap3A_311, %swap3A_312] {strides = array<i32>} : memref<32x1024xf32, #tpu.memory_space<vmem>>, vector<16xf32>,
      tpu.vector_store %arg6[%swap3A_311, %swap3A_312], %broadcast_in_dim3A_6 {strides = array<i32>} : memref<32x1024xf32, #tpu.memory_space<vmem>>, vector<16xf32>,
      %swap3A_314 = arith.index_cast %add3A_146 : i32 to index
      %swap3A_315 = arith.constant 896 : index
      %swap3A_316 = tpu.vector_load %arg6[%swap3A_314, %swap3A_315] {strides = array<i32>} : memref<32x1024xf32, #tpu.memory_space<vmem>>, vector<16xf32>,
      tpu.vector_store %arg6[%swap3A_314, %swap3A_315], %broadcast_in_dim3A_6 {strides = array<i32>} : memref<32x1024xf32, #tpu.memory_space<vmem>>, vector<16xf32>,
      %swap3A_317 = arith.index_cast %add3A_146 : i32 to index
      %swap3A_318 = arith.constant 912 : index
      %swap3A_319 = tpu.vector_load %arg6[%swap3A_317, %swap3A_318] {strides = array<i32>} : memref<32x1024xf32, #tpu.memory_space<vmem>>, vector<16xf32>,
      tpu.vector_store %arg6[%swap3A_317, %swap3A_318], %broadcast_in_dim3A_6 {strides = array<i32>} : memref<32x1024xf32, #tpu.memory_space<vmem>>, vector<16xf32>,
      %swap3A_320 = arith.index_cast %add3A_146 : i32 to index
      %swap3A_321 = arith.constant 928 : index
      %swap3A_322 = tpu.vector_load %arg6[%swap3A_320, %swap3A_321] {strides = array<i32>} : memref<32x1024xf32, #tpu.memory_space<vmem>>, vector<16xf32>,
      tpu.vector_store %arg6[%swap3A_320, %swap3A_321], %broadcast_in_dim3A_6 {strides = array<i32>} : memref<32x1024xf32, #tpu.memory_space<vmem>>, vector<16xf32>,
      %swap3A_323 = arith.index_cast %add3A_146 : i32 to index
      %swap3A_324 = arith.constant 944 : index
      %swap3A_325 = tpu.vector_load %arg6[%swap3A_323, %swap3A_324] {strides = array<i32>} : memref<32x1024xf32, #tpu.memory_space<vmem>>, vector<16xf32>,
      tpu.vector_store %arg6[%swap3A_323, %swap3A_324], %broadcast_in_dim3A_6 {strides = array<i32>} : memref<32x1024xf32, #tpu.memory_space<vmem>>, vector<16xf32>,
      %swap3A_326 = arith.index_cast %add3A_146 : i32 to index
      %swap3A_327 = arith.constant 960 : index
      %swap3A_328 = tpu.vector_load %arg6[%swap3A_326, %swap3A_327] {strides = array<i32>} : memref<32x1024xf32, #tpu.memory_space<vmem>>, vector<16xf32>,
      tpu.vector_store %arg6[%swap3A_326, %swap3A_327], %broadcast_in_dim3A_6 {strides = array<i32>} : memref<32x1024xf32, #tpu.memory_space<vmem>>, vector<16xf32>,
      %swap3A_329 = arith.index_cast %add3A_146 : i32 to index
      %swap3A_330 = arith.constant 976 : index
      %swap3A_331 = tpu.vector_load %arg6[%swap3A_329, %swap3A_330] {strides = array<i32>} : memref<32x1024xf32, #tpu.memory_space<vmem>>, vector<16xf32>,
      tpu.vector_store %arg6[%swap3A_329, %swap3A_330], %broadcast_in_dim3A_6 {strides = array<i32>} : memref<32x1024xf32, #tpu.memory_space<vmem>>, vector<16xf32>,
      %swap3A_332 = arith.index_cast %add3A_146 : i32 to index
      %swap3A_333 = arith.constant 992 : index
      %swap3A_334 = tpu.vector_load %arg6[%swap3A_332, %swap3A_333] {strides = array<i32>} : memref<32x1024xf32, #tpu.memory_space<vmem>>, vector<16xf32>,
      tpu.vector_store %arg6[%swap3A_332, %swap3A_333], %broadcast_in_dim3A_6 {strides = array<i32>} : memref<32x1024xf32, #tpu.memory_space<vmem>>, vector<16xf32>,
      %swap3A_335 = arith.index_cast %add3A_146 : i32 to index
      %swap3A_336 = arith.constant 1008 : index
      %swap3A_337 = tpu.vector_load %arg6[%swap3A_335, %swap3A_336] {strides = array<i32>} : memref<32x1024xf32, #tpu.memory_space<vmem>>, vector<16xf32>,
      tpu.vector_store %arg6[%swap3A_335, %swap3A_336], %broadcast_in_dim3A_6 {strides = array<i32>} : memref<32x1024xf32, #tpu.memory_space<vmem>>, vector<16xf32>,
    }
    %scan3A_47 = arith.constant 32 : i32
    %scan3A_48 = arith.constant 0 : i32
    %scan3A_49 = arith.constant 64 : i32
    %scan3A_50 = arith.addi %scan3A_48, %scan3A_49 : i32
    %scan3A_51 = arith.constant 1 : i32
    scf.for %scan3A_142 = %scan3A_48 to %scan3A_50 step %scan3A_51  : i32 {
      %mul3A_143 = arith.constant 1 : i32
      %mul3A_144 = arith.muli %scan3A_142, %mul3A_143 : i32
      %add3A_145 = arith.constant 0 : i32
      %add3A_146 = arith.addi %add3A_145, %mul3A_144 : i32
      %mul3A_147 = arith.constant 16 : i32
      %mul3A_148 = arith.muli %add3A_146, %mul3A_147 : i32
      %add3A_149 = arith.constant 1024 : i32
      %add3A_150 = arith.addi %add3A_149, %mul3A_148 : i32
      %get3A = arith.index_cast %add3A_150 : i32 to index
      %get3A_151 = tpu.vector_load %arg4[%get3A] {strides = array<i32>} : memref<16384xi32, #tpu.memory_space<vmem>>, vector<16xi32>,
      %sub3A_152 = vector.broadcast %mul3A_2 : i32 to vector<16xi32>
      %sub3A_153 = arith.subi %get3A_151, %sub3A_152 : vector<16xi32>
      %bitcast3A = vector.bitcast %sub3A_153 : vector<16xi32> to vector<16xi32>
      %lt3A_154 = vector.broadcast %sub3A : i32 to vector<16xi32>
      %lt3A_155 = arith.cmpi ult, %bitcast3A, %lt3A_154 : vector<16xi32>
      %mul3A_156 = arith.constant 16 : i32
      %mul3A_157 = arith.muli %add3A_146, %mul3A_156 : i32
      %add3A_158 = vector.broadcast %mul3A_157 : i32 to vector<16xi32>
      %add3A_159 = arith.addi %add3A_158, %iota3A : vector<16xi32>
      tpu.vector_store_idx %arg6[%sub3A_153, %add3A_159], %broadcast_in_dim3A_8 masked %lt3A_155 : memref<32x1024xf32, #tpu.memory_space<vmem>>[vector<16xi32>, vector<16xi32>], vector<16xf32>, vector<16xi1>
    }
    %scan3A_52 = arith.constant 64 : i32
    %add3A_53 = arith.constant 0 : i32
    %add3A_54 = arith.addi %mul3A_2, %add3A_53 : i32
    %lt3A_55 = arith.constant 1000 : i32
    %lt3A_56 = arith.cmpi slt, %add3A_54, %lt3A_55 : i32
    %convert_element_type3A_57 = arith.extui %lt3A_56 : i1 to i32
    %cond3A_58 = arith.constant 0 : i32
    %cond3A_59 = arith.cmpi ne, %convert_element_type3A_57, %cond3A_58 : i32
    scf.if %cond3A_59 {
      %add3A_142 = arith.constant 0 : i32
      %add3A_143 = arith.addi %mul3A_2, %add3A_142 : i32
      %dma_start3A = arith.constant 0 : i32
      %dma_start3A_144 = arith.constant 0 : i32
      %dma_start3A_145 = tpu.memref_slice %arg6[%dma_start3A, %dma_start3A_144] : memref<32x1024xf32, #tpu.memory_space<vmem>> -> memref<8x1024xf32, #tpu.memory_space<vmem>>
      %dma_start3A_146 = arith.constant 1024 : i32
      %dma_start3A_147 = tpu.memref_slice %arg3[%add3A_143, %dma_start3A_146] : memref<1000x16384xf32, #tpu.memory_space<hbm>> -> memref<8x1024xf32, #tpu.memory_space<hbm>>
      %dma_start3A_148 = arith.constant 1024 : i32
      %dma_start3A_149 = tpu.memref_slice %arg3[%add3A_143, %dma_start3A_148] : memref<1000x16384xf32, #tpu.memory_space<hbm>> -> memref<8x1024xf32, #tpu.memory_space<hbm>>
      %dma_start3A_150 = arith.constant 0 : i32
      %dma_start3A_151 = arith.constant 0 : i32
      %dma_start3A_152 = tpu.memref_slice %arg6[%dma_start3A_150, %dma_start3A_151] : memref<32x1024xf32, #tpu.memory_space<vmem>> -> memref<8x1024xf32, #tpu.memory_space<vmem>>
      tpu.enqueue_dma source(%dma_start3A_152 : memref<8x1024xf32, #tpu.memory_space<vmem>>) target(%dma_start3A_149 : memref<8x1024xf32, #tpu.memory_space<hbm>>) target_semaphore(%arg8 : memref<!tpu.dma_semaphore, #tpu.memory_space<semaphore_mem>>)
    } else {
    }
    %add3A_60 = arith.constant 8 : i32
    %add3A_61 = arith.addi %mul3A_2, %add3A_60 : i32
    %lt3A_62 = arith.constant 1000 : i32
    %lt3A_63 = arith.cmpi slt, %add3A_61, %lt3A_62 : i32
    %convert_element_type3A_64 = arith.extui %lt3A_63 : i1 to i32
    %cond3A_65 = arith.constant 0 : i32
    %cond3A_66 = arith.cmpi ne, %convert_element_type3A_64, %cond3A_65 : i32
    scf.if %cond3A_66 {
      %add3A_142 = arith.constant 8 : i32
      %add3A_143 = arith.addi %mul3A_2, %add3A_142 : i32
      %dma_start3A = arith.constant 8 : i32
      %dma_start3A_144 = arith.constant 0 : i32
      %dma_start3A_145 = tpu.memref_slice %arg6[%dma_start3A, %dma_start3A_144] : memref<32x1024xf32, #tpu.memory_space<vmem>> -> memref<8x1024xf32, #tpu.memory_space<vmem>>
      %dma_start3A_146 = arith.constant 1024 : i32
      %dma_start3A_147 = tpu.memref_slice %arg3[%add3A_143, %dma_start3A_146] : memref<1000x16384xf32, #tpu.memory_space<hbm>> -> memref<8x1024xf32, #tpu.memory_space<hbm>>
      %dma_start3A_148 = arith.constant 1024 : i32
      %dma_start3A_149 = tpu.memref_slice %arg3[%add3A_143, %dma_start3A_148] : memref<1000x16384xf32, #tpu.memory_space<hbm>> -> memref<8x1024xf32, #tpu.memory_space<hbm>>
      %dma_start3A_150 = arith.constant 8 : i32
      %dma_start3A_151 = arith.constant 0 : i32
      %dma_start3A_152 = tpu.memref_slice %arg6[%dma_start3A_150, %dma_start3A_151] : memref<32x1024xf32, #tpu.memory_space<vmem>> -> memref<8x1024xf32, #tpu.memory_space<vmem>>
      tpu.enqueue_dma source(%dma_start3A_152 : memref<8x1024xf32, #tpu.memory_space<vmem>>) target(%dma_start3A_149 : memref<8x1024xf32, #tpu.memory_space<hbm>>) target_semaphore(%arg8 : memref<!tpu.dma_semaphore, #tpu.memory_space<semaphore_mem>>)
    } else {
    }
    %add3A_67 = arith.constant 16 : i32
    %add3A_68 = arith.addi %mul3A_2, %add3A_67 : i32
    %lt3A_69 = arith.constant 1000 : i32
    %lt3A_70 = arith.cmpi slt, %add3A_68, %lt3A_69 : i32
    %convert_element_type3A_71 = arith.extui %lt3A_70 : i1 to i32
    %cond3A_72 = arith.constant 0 : i32
    %cond3A_73 = arith.cmpi ne, %convert_element_type3A_71, %cond3A_72 : i32
    scf.if %cond3A_73 {
      %add3A_142 = arith.constant 16 : i32
      %add3A_143 = arith.addi %mul3A_2, %add3A_142 : i32
      %dma_start3A = arith.constant 16 : i32
      %dma_start3A_144 = arith.constant 0 : i32
      %dma_start3A_145 = tpu.memref_slice %arg6[%dma_start3A, %dma_start3A_144] : memref<32x1024xf32, #tpu.memory_space<vmem>> -> memref<8x1024xf32, #tpu.memory_space<vmem>>
      %dma_start3A_146 = arith.constant 1024 : i32
      %dma_start3A_147 = tpu.memref_slice %arg3[%add3A_143, %dma_start3A_146] : memref<1000x16384xf32, #tpu.memory_space<hbm>> -> memref<8x1024xf32, #tpu.memory_space<hbm>>
      %dma_start3A_148 = arith.constant 1024 : i32
      %dma_start3A_149 = tpu.memref_slice %arg3[%add3A_143, %dma_start3A_148] : memref<1000x16384xf32, #tpu.memory_space<hbm>> -> memref<8x1024xf32, #tpu.memory_space<hbm>>
      %dma_start3A_150 = arith.constant 16 : i32
      %dma_start3A_151 = arith.constant 0 : i32
      %dma_start3A_152 = tpu.memref_slice %arg6[%dma_start3A_150, %dma_start3A_151] : memref<32x1024xf32, #tpu.memory_space<vmem>> -> memref<8x1024xf32, #tpu.memory_space<vmem>>
      tpu.enqueue_dma source(%dma_start3A_152 : memref<8x1024xf32, #tpu.memory_space<vmem>>) target(%dma_start3A_149 : memref<8x1024xf32, #tpu.memory_space<hbm>>) target_semaphore(%arg8 : memref<!tpu.dma_semaphore, #tpu.memory_space<semaphore_mem>>)
    } else {
    }
    %add3A_74 = arith.constant 24 : i32
    %add3A_75 = arith.addi %mul3A_2, %add3A_74 : i32
    %lt3A_76 = arith.constant 1000 : i32
    %lt3A_77 = arith.cmpi slt, %add3A_75, %lt3A_76 : i32
    %convert_element_type3A_78 = arith.extui %lt3A_77 : i1 to i32
    %cond3A_79 = arith.constant 0 : i32
    %cond3A_80 = arith.cmpi ne, %convert_element_type3A_78, %cond3A_79 : i32
    scf.if %cond3A_80 {
      %add3A_142 = arith.constant 24 : i32
      %add3A_143 = arith.addi %mul3A_2, %add3A_142 : i32
      %dma_start3A = arith.constant 24 : i32
      %dma_start3A_144 = arith.constant 0 : i32
      %dma_start3A_145 = tpu.memref_slice %arg6[%dma_start3A, %dma_start3A_144] : memref<32x1024xf32, #tpu.memory_space<vmem>> -> memref<8x1024xf32, #tpu.memory_space<vmem>>
      %dma_start3A_146 = arith.constant 1024 : i32
      %dma_start3A_147 = tpu.memref_slice %arg3[%add3A_143, %dma_start3A_146] : memref<1000x16384xf32, #tpu.memory_space<hbm>> -> memref<8x1024xf32, #tpu.memory_space<hbm>>
      %dma_start3A_148 = arith.constant 1024 : i32
      %dma_start3A_149 = tpu.memref_slice %arg3[%add3A_143, %dma_start3A_148] : memref<1000x16384xf32, #tpu.memory_space<hbm>> -> memref<8x1024xf32, #tpu.memory_space<hbm>>
      %dma_start3A_150 = arith.constant 24 : i32
      %dma_start3A_151 = arith.constant 0 : i32
      %dma_start3A_152 = tpu.memref_slice %arg6[%dma_start3A_150, %dma_start3A_151] : memref<32x1024xf32, #tpu.memory_space<vmem>> -> memref<8x1024xf32, #tpu.memory_space<vmem>>
      tpu.enqueue_dma source(%dma_start3A_152 : memref<8x1024xf32, #tpu.memory_space<vmem>>) target(%dma_start3A_149 : memref<8x1024xf32, #tpu.memory_space<hbm>>) target_semaphore(%arg8 : memref<!tpu.dma_semaphore, #tpu.memory_space<semaphore_mem>>)
    } else {
    }
    %scan3A_81 = arith.constant 0 : i32
    %scan3A_82 = arith.constant 7 : i32
    %scan3A_83 = arith.addi %scan3A_81, %scan3A_82 : i32
    %scan3A_84 = arith.constant 1 : i32
    scf.for %scan3A_142 = %scan3A_81 to %scan3A_83 step %scan3A_84  : i32 {
      %mul3A_143 = arith.constant 2 : i32
      %mul3A_144 = arith.muli %scan3A_142, %mul3A_143 : i32
      %add3A_145 = arith.constant 2 : i32
      %add3A_146 = arith.addi %add3A_145, %mul3A_144 : i32
      %add3A_147 = arith.constant 0 : i32
      %add3A_148 = arith.addi %add3A_146, %add3A_147 : i32
      %sub3A_149 = arith.constant 2 : i32
      %sub3A_150 = arith.subi %add3A_148, %sub3A_149 : i32
      %add3A_151 = arith.constant 0 : i32
      %add3A_152 = arith.addi %mul3A_2, %add3A_151 : i32
      %lt3A_153 = arith.constant 1000 : i32
      %lt3A_154 = arith.cmpi slt, %add3A_152, %lt3A_153 : i32
      %convert_element_type3A_155 = arith.extui %lt3A_154 : i1 to i32
      %cond3A_156 = arith.constant 0 : i32
      %cond3A_157 = arith.cmpi ne, %convert_element_type3A_155, %cond3A_156 : i32
      scf.if %cond3A_157 {
        %add3A_291 = arith.constant 0 : i32
        %add3A_292 = arith.addi %mul3A_2, %add3A_291 : i32
        %mul3A_293 = arith.constant 1024 : i32
        %mul3A_294 = arith.muli %sub3A_150, %mul3A_293 : i32
        %dma_wait3A = arith.constant 0 : i32
        %dma_wait3A_295 = arith.constant 0 : i32
        %dma_wait3A_296 = tpu.memref_slice %arg5[%dma_wait3A, %dma_wait3A_295] : memref<32x1024xf32, #tpu.memory_space<vmem>> -> memref<8x1024xf32, #tpu.memory_space<vmem>>
        %dma_wait3A_297 = tpu.memref_slice %arg3[%add3A_292, %mul3A_294] : memref<1000x16384xf32, #tpu.memory_space<hbm>> -> memref<8x1024xf32, #tpu.memory_space<hbm>>
        %dma_wait3A_298 = tpu.memref_slice %arg3[%add3A_292, %mul3A_294] : memref<1000x16384xf32, #tpu.memory_space<hbm>> -> memref<8x1024xf32, #tpu.memory_space<hbm>>
        %dma_wait3A_299 = arith.constant 0 : i32
        %dma_wait3A_300 = arith.constant 0 : i32
        %dma_wait3A_301 = tpu.memref_slice %arg5[%dma_wait3A_299, %dma_wait3A_300] : memref<32x1024xf32, #tpu.memory_space<vmem>> -> memref<8x1024xf32, #tpu.memory_space<vmem>>
        tpu.wait_dma2 semaphore(%arg7 : memref<!tpu.dma_semaphore, #tpu.memory_space<semaphore_mem>>) src(%dma_wait3A_301 : memref<8x1024xf32, #tpu.memory_space<vmem>>) dst(%dma_wait3A_298 : memref<8x1024xf32, #tpu.memory_space<hbm>>)
      } else {
      }
      %add3A_158 = arith.constant 8 : i32
      %add3A_159 = arith.addi %mul3A_2, %add3A_158 : i32
      %lt3A_160 = arith.constant 1000 : i32
      %lt3A_161 = arith.cmpi slt, %add3A_159, %lt3A_160 : i32
      %convert_element_type3A_162 = arith.extui %lt3A_161 : i1 to i32
      %cond3A_163 = arith.constant 0 : i32
      %cond3A_164 = arith.cmpi ne, %convert_element_type3A_162, %cond3A_163 : i32
      scf.if %cond3A_164 {
        %add3A_291 = arith.constant 8 : i32
        %add3A_292 = arith.addi %mul3A_2, %add3A_291 : i32
        %mul3A_293 = arith.constant 1024 : i32
        %mul3A_294 = arith.muli %sub3A_150, %mul3A_293 : i32
        %dma_wait3A = arith.constant 8 : i32
        %dma_wait3A_295 = arith.constant 0 : i32
        %dma_wait3A_296 = tpu.memref_slice %arg5[%dma_wait3A, %dma_wait3A_295] : memref<32x1024xf32, #tpu.memory_space<vmem>> -> memref<8x1024xf32, #tpu.memory_space<vmem>>
        %dma_wait3A_297 = tpu.memref_slice %arg3[%add3A_292, %mul3A_294] : memref<1000x16384xf32, #tpu.memory_space<hbm>> -> memref<8x1024xf32, #tpu.memory_space<hbm>>
        %dma_wait3A_298 = tpu.memref_slice %arg3[%add3A_292, %mul3A_294] : memref<1000x16384xf32, #tpu.memory_space<hbm>> -> memref<8x1024xf32, #tpu.memory_space<hbm>>
        %dma_wait3A_299 = arith.constant 8 : i32
        %dma_wait3A_300 = arith.constant 0 : i32
        %dma_wait3A_301 = tpu.memref_slice %arg5[%dma_wait3A_299, %dma_wait3A_300] : memref<32x1024xf32, #tpu.memory_space<vmem>> -> memref<8x1024xf32, #tpu.memory_space<vmem>>
        tpu.wait_dma2 semaphore(%arg7 : memref<!tpu.dma_semaphore, #tpu.memory_space<semaphore_mem>>) src(%dma_wait3A_301 : memref<8x1024xf32, #tpu.memory_space<vmem>>) dst(%dma_wait3A_298 : memref<8x1024xf32, #tpu.memory_space<hbm>>)
      } else {
      }
      %add3A_165 = arith.constant 16 : i32
      %add3A_166 = arith.addi %mul3A_2, %add3A_165 : i32
      %lt3A_167 = arith.constant 1000 : i32
      %lt3A_168 = arith.cmpi slt, %add3A_166, %lt3A_167 : i32
      %convert_element_type3A_169 = arith.extui %lt3A_168 : i1 to i32
      %cond3A_170 = arith.constant 0 : i32
      %cond3A_171 = arith.cmpi ne, %convert_element_type3A_169, %cond3A_170 : i32
      scf.if %cond3A_171 {
        %add3A_291 = arith.constant 16 : i32
        %add3A_292 = arith.addi %mul3A_2, %add3A_291 : i32
        %mul3A_293 = arith.constant 1024 : i32
        %mul3A_294 = arith.muli %sub3A_150, %mul3A_293 : i32
        %dma_wait3A = arith.constant 16 : i32
        %dma_wait3A_295 = arith.constant 0 : i32
        %dma_wait3A_296 = tpu.memref_slice %arg5[%dma_wait3A, %dma_wait3A_295] : memref<32x1024xf32, #tpu.memory_space<vmem>> -> memref<8x1024xf32, #tpu.memory_space<vmem>>
        %dma_wait3A_297 = tpu.memref_slice %arg3[%add3A_292, %mul3A_294] : memref<1000x16384xf32, #tpu.memory_space<hbm>> -> memref<8x1024xf32, #tpu.memory_space<hbm>>
        %dma_wait3A_298 = tpu.memref_slice %arg3[%add3A_292, %mul3A_294] : memref<1000x16384xf32, #tpu.memory_space<hbm>> -> memref<8x1024xf32, #tpu.memory_space<hbm>>
        %dma_wait3A_299 = arith.constant 16 : i32
        %dma_wait3A_300 = arith.constant 0 : i32
        %dma_wait3A_301 = tpu.memref_slice %arg5[%dma_wait3A_299, %dma_wait3A_300] : memref<32x1024xf32, #tpu.memory_space<vmem>> -> memref<8x1024xf32, #tpu.memory_space<vmem>>
        tpu.wait_dma2 semaphore(%arg7 : memref<!tpu.dma_semaphore, #tpu.memory_space<semaphore_mem>>) src(%dma_wait3A_301 : memref<8x1024xf32, #tpu.memory_space<vmem>>) dst(%dma_wait3A_298 : memref<8x1024xf32, #tpu.memory_space<hbm>>)
      } else {
      }
      %add3A_172 = arith.constant 24 : i32
      %add3A_173 = arith.addi %mul3A_2, %add3A_172 : i32
      %lt3A_174 = arith.constant 1000 : i32
      %lt3A_175 = arith.cmpi slt, %add3A_173, %lt3A_174 : i32
      %convert_element_type3A_176 = arith.extui %lt3A_175 : i1 to i32
      %cond3A_177 = arith.constant 0 : i32
      %cond3A_178 = arith.cmpi ne, %convert_element_type3A_176, %cond3A_177 : i32
      scf.if %cond3A_178 {
        %add3A_291 = arith.constant 24 : i32
        %add3A_292 = arith.addi %mul3A_2, %add3A_291 : i32
        %mul3A_293 = arith.constant 1024 : i32
        %mul3A_294 = arith.muli %sub3A_150, %mul3A_293 : i32
        %dma_wait3A = arith.constant 24 : i32
        %dma_wait3A_295 = arith.constant 0 : i32
        %dma_wait3A_296 = tpu.memref_slice %arg5[%dma_wait3A, %dma_wait3A_295] : memref<32x1024xf32, #tpu.memory_space<vmem>> -> memref<8x1024xf32, #tpu.memory_space<vmem>>
        %dma_wait3A_297 = tpu.memref_slice %arg3[%add3A_292, %mul3A_294] : memref<1000x16384xf32, #tpu.memory_space<hbm>> -> memref<8x1024xf32, #tpu.memory_space<hbm>>
        %dma_wait3A_298 = tpu.memref_slice %arg3[%add3A_292, %mul3A_294] : memref<1000x16384xf32, #tpu.memory_space<hbm>> -> memref<8x1024xf32, #tpu.memory_space<hbm>>
        %dma_wait3A_299 = arith.constant 24 : i32
        %dma_wait3A_300 = arith.constant 0 : i32
        %dma_wait3A_301 = tpu.memref_slice %arg5[%dma_wait3A_299, %dma_wait3A_300] : memref<32x1024xf32, #tpu.memory_space<vmem>> -> memref<8x1024xf32, #tpu.memory_space<vmem>>
        tpu.wait_dma2 semaphore(%arg7 : memref<!tpu.dma_semaphore, #tpu.memory_space<semaphore_mem>>) src(%dma_wait3A_301 : memref<8x1024xf32, #tpu.memory_space<vmem>>) dst(%dma_wait3A_298 : memref<8x1024xf32, #tpu.memory_space<hbm>>)
      } else {
      }
      %scan3A_179 = arith.constant 0 : i32
      %scan3A_180 = arith.constant 64 : i32
      %scan3A_181 = arith.addi %scan3A_179, %scan3A_180 : i32
      %scan3A_182 = arith.constant 1 : i32
      scf.for %scan3A_291 = %scan3A_179 to %scan3A_181 step %scan3A_182  : i32 {
        %mul3A_292 = arith.constant 1 : i32
        %mul3A_293 = arith.muli %scan3A_291, %mul3A_292 : i32
        %add3A_294 = arith.constant 0 : i32
        %add3A_295 = arith.addi %add3A_294, %mul3A_293 : i32
        %mul3A_296 = arith.constant 1024 : i32
        %mul3A_297 = arith.muli %sub3A_150, %mul3A_296 : i32
        %mul3A_298 = arith.constant 16 : i32
        %mul3A_299 = arith.muli %add3A_295, %mul3A_298 : i32
        %add3A_300 = arith.addi %mul3A_297, %mul3A_299 : i32
        %get3A = arith.index_cast %add3A_300 : i32 to index
        %get3A_301 = tpu.vector_load %arg4[%get3A] {strides = array<i32>} : memref<16384xi32, #tpu.memory_space<vmem>>, vector<16xi32>,
        %sub3A_302 = vector.broadcast %mul3A_2 : i32 to vector<16xi32>
        %sub3A_303 = arith.subi %get3A_301, %sub3A_302 : vector<16xi32>
        %bitcast3A = vector.bitcast %sub3A_303 : vector<16xi32> to vector<16xi32>
        %lt3A_304 = vector.broadcast %sub3A : i32 to vector<16xi32>
        %lt3A_305 = arith.cmpi ult, %bitcast3A, %lt3A_304 : vector<16xi32>
        %mul3A_306 = arith.constant 16 : i32
        %mul3A_307 = arith.muli %add3A_295, %mul3A_306 : i32
        %add3A_308 = vector.broadcast %mul3A_307 : i32 to vector<16xi32>
        %add3A_309 = arith.addi %add3A_308, %iota3A : vector<16xi32>
        tpu.vector_store_idx %arg5[%sub3A_303, %add3A_309], %broadcast_in_dim3A_6 masked %lt3A_305 : memref<32x1024xf32, #tpu.memory_space<vmem>>[vector<16xi32>, vector<16xi32>], vector<16xf32>, vector<16xi1>
      }
      %scan3A_183 = arith.constant 64 : i32
      %add3A_184 = arith.constant 0 : i32
      %add3A_185 = arith.addi %add3A_146, %add3A_184 : i32
      %scan3A_186 = arith.constant 0 : i32
      %scan3A_187 = arith.constant 64 : i32
      %scan3A_188 = arith.addi %scan3A_186, %scan3A_187 : i32
      %scan3A_189 = arith.constant 1 : i32
      scf.for %scan3A_291 = %scan3A_186 to %scan3A_188 step %scan3A_189  : i32 {
        %mul3A_292 = arith.constant 1 : i32
        %mul3A_293 = arith.muli %scan3A_291, %mul3A_292 : i32
        %add3A_294 = arith.constant 0 : i32
        %add3A_295 = arith.addi %add3A_294, %mul3A_293 : i32
        %mul3A_296 = arith.constant 1024 : i32
        %mul3A_297 = arith.muli %add3A_185, %mul3A_296 : i32
        %mul3A_298 = arith.constant 16 : i32
        %mul3A_299 = arith.muli %add3A_295, %mul3A_298 : i32
        %add3A_300 = arith.addi %mul3A_297, %mul3A_299 : i32
        %get3A = arith.index_cast %add3A_300 : i32 to index
        %get3A_301 = tpu.vector_load %arg4[%get3A] {strides = array<i32>} : memref<16384xi32, #tpu.memory_space<vmem>>, vector<16xi32>,
        %sub3A_302 = vector.broadcast %mul3A_2 : i32 to vector<16xi32>
        %sub3A_303 = arith.subi %get3A_301, %sub3A_302 : vector<16xi32>
        %bitcast3A = vector.bitcast %sub3A_303 : vector<16xi32> to vector<16xi32>
        %lt3A_304 = vector.broadcast %sub3A : i32 to vector<16xi32>
        %lt3A_305 = arith.cmpi ult, %bitcast3A, %lt3A_304 : vector<16xi32>
        %mul3A_306 = arith.constant 16 : i32
        %mul3A_307 = arith.muli %add3A_295, %mul3A_306 : i32
        %add3A_308 = vector.broadcast %mul3A_307 : i32 to vector<16xi32>
        %add3A_309 = arith.addi %add3A_308, %iota3A : vector<16xi32>
        tpu.vector_store_idx %arg5[%sub3A_303, %add3A_309], %broadcast_in_dim3A_8 masked %lt3A_305 : memref<32x1024xf32, #tpu.memory_space<vmem>>[vector<16xi32>, vector<16xi32>], vector<16xf32>, vector<16xi1>
      }
      %scan3A_190 = arith.constant 64 : i32
      %add3A_191 = arith.constant 0 : i32
      %add3A_192 = arith.addi %mul3A_2, %add3A_191 : i32
      %lt3A_193 = arith.constant 1000 : i32
      %lt3A_194 = arith.cmpi slt, %add3A_192, %lt3A_193 : i32
      %convert_element_type3A_195 = arith.extui %lt3A_194 : i1 to i32
      %cond3A_196 = arith.constant 0 : i32
      %cond3A_197 = arith.cmpi ne, %convert_element_type3A_195, %cond3A_196 : i32
      scf.if %cond3A_197 {
        %add3A_291 = arith.constant 0 : i32
        %add3A_292 = arith.addi %mul3A_2, %add3A_291 : i32
        %mul3A_293 = arith.constant 1024 : i32
        %mul3A_294 = arith.muli %add3A_185, %mul3A_293 : i32
        %dma_start3A = arith.constant 0 : i32
        %dma_start3A_295 = arith.constant 0 : i32
        %dma_start3A_296 = tpu.memref_slice %arg5[%dma_start3A, %dma_start3A_295] : memref<32x1024xf32, #tpu.memory_space<vmem>> -> memref<8x1024xf32, #tpu.memory_space<vmem>>
        %dma_start3A_297 = tpu.memref_slice %arg3[%add3A_292, %mul3A_294] : memref<1000x16384xf32, #tpu.memory_space<hbm>> -> memref<8x1024xf32, #tpu.memory_space<hbm>>
        %dma_start3A_298 = tpu.memref_slice %arg3[%add3A_292, %mul3A_294] : memref<1000x16384xf32, #tpu.memory_space<hbm>> -> memref<8x1024xf32, #tpu.memory_space<hbm>>
        %dma_start3A_299 = arith.constant 0 : i32
        %dma_start3A_300 = arith.constant 0 : i32
        %dma_start3A_301 = tpu.memref_slice %arg5[%dma_start3A_299, %dma_start3A_300] : memref<32x1024xf32, #tpu.memory_space<vmem>> -> memref<8x1024xf32, #tpu.memory_space<vmem>>
        tpu.enqueue_dma source(%dma_start3A_301 : memref<8x1024xf32, #tpu.memory_space<vmem>>) target(%dma_start3A_298 : memref<8x1024xf32, #tpu.memory_space<hbm>>) target_semaphore(%arg7 : memref<!tpu.dma_semaphore, #tpu.memory_space<semaphore_mem>>)
      } else {
      }
      %add3A_198 = arith.constant 8 : i32
      %add3A_199 = arith.addi %mul3A_2, %add3A_198 : i32
      %lt3A_200 = arith.constant 1000 : i32
      %lt3A_201 = arith.cmpi slt, %add3A_199, %lt3A_200 : i32
      %convert_element_type3A_202 = arith.extui %lt3A_201 : i1 to i32
      %cond3A_203 = arith.constant 0 : i32
      %cond3A_204 = arith.cmpi ne, %convert_element_type3A_202, %cond3A_203 : i32
      scf.if %cond3A_204 {
        %add3A_291 = arith.constant 8 : i32
        %add3A_292 = arith.addi %mul3A_2, %add3A_291 : i32
        %mul3A_293 = arith.constant 1024 : i32
        %mul3A_294 = arith.muli %add3A_185, %mul3A_293 : i32
        %dma_start3A = arith.constant 8 : i32
        %dma_start3A_295 = arith.constant 0 : i32
        %dma_start3A_296 = tpu.memref_slice %arg5[%dma_start3A, %dma_start3A_295] : memref<32x1024xf32, #tpu.memory_space<vmem>> -> memref<8x1024xf32, #tpu.memory_space<vmem>>
        %dma_start3A_297 = tpu.memref_slice %arg3[%add3A_292, %mul3A_294] : memref<1000x16384xf32, #tpu.memory_space<hbm>> -> memref<8x1024xf32, #tpu.memory_space<hbm>>
        %dma_start3A_298 = tpu.memref_slice %arg3[%add3A_292, %mul3A_294] : memref<1000x16384xf32, #tpu.memory_space<hbm>> -> memref<8x1024xf32, #tpu.memory_space<hbm>>
        %dma_start3A_299 = arith.constant 8 : i32
        %dma_start3A_300 = arith.constant 0 : i32
        %dma_start3A_301 = tpu.memref_slice %arg5[%dma_start3A_299, %dma_start3A_300] : memref<32x1024xf32, #tpu.memory_space<vmem>> -> memref<8x1024xf32, #tpu.memory_space<vmem>>
        tpu.enqueue_dma source(%dma_start3A_301 : memref<8x1024xf32, #tpu.memory_space<vmem>>) target(%dma_start3A_298 : memref<8x1024xf32, #tpu.memory_space<hbm>>) target_semaphore(%arg7 : memref<!tpu.dma_semaphore, #tpu.memory_space<semaphore_mem>>)
      } else {
      }
      %add3A_205 = arith.constant 16 : i32
      %add3A_206 = arith.addi %mul3A_2, %add3A_205 : i32
      %lt3A_207 = arith.constant 1000 : i32
      %lt3A_208 = arith.cmpi slt, %add3A_206, %lt3A_207 : i32
      %convert_element_type3A_209 = arith.extui %lt3A_208 : i1 to i32
      %cond3A_210 = arith.constant 0 : i32
      %cond3A_211 = arith.cmpi ne, %convert_element_type3A_209, %cond3A_210 : i32
      scf.if %cond3A_211 {
        %add3A_291 = arith.constant 16 : i32
        %add3A_292 = arith.addi %mul3A_2, %add3A_291 : i32
        %mul3A_293 = arith.constant 1024 : i32
        %mul3A_294 = arith.muli %add3A_185, %mul3A_293 : i32
        %dma_start3A = arith.constant 16 : i32
        %dma_start3A_295 = arith.constant 0 : i32
        %dma_start3A_296 = tpu.memref_slice %arg5[%dma_start3A, %dma_start3A_295] : memref<32x1024xf32, #tpu.memory_space<vmem>> -> memref<8x1024xf32, #tpu.memory_space<vmem>>
        %dma_start3A_297 = tpu.memref_slice %arg3[%add3A_292, %mul3A_294] : memref<1000x16384xf32, #tpu.memory_space<hbm>> -> memref<8x1024xf32, #tpu.memory_space<hbm>>
        %dma_start3A_298 = tpu.memref_slice %arg3[%add3A_292, %mul3A_294] : memref<1000x16384xf32, #tpu.memory_space<hbm>> -> memref<8x1024xf32, #tpu.memory_space<hbm>>
        %dma_start3A_299 = arith.constant 16 : i32
        %dma_start3A_300 = arith.constant 0 : i32
        %dma_start3A_301 = tpu.memref_slice %arg5[%dma_start3A_299, %dma_start3A_300] : memref<32x1024xf32, #tpu.memory_space<vmem>> -> memref<8x1024xf32, #tpu.memory_space<vmem>>
        tpu.enqueue_dma source(%dma_start3A_301 : memref<8x1024xf32, #tpu.memory_space<vmem>>) target(%dma_start3A_298 : memref<8x1024xf32, #tpu.memory_space<hbm>>) target_semaphore(%arg7 : memref<!tpu.dma_semaphore, #tpu.memory_space<semaphore_mem>>)
      } else {
      }
      %add3A_212 = arith.constant 24 : i32
      %add3A_213 = arith.addi %mul3A_2, %add3A_212 : i32
      %lt3A_214 = arith.constant 1000 : i32
      %lt3A_215 = arith.cmpi slt, %add3A_213, %lt3A_214 : i32
      %convert_element_type3A_216 = arith.extui %lt3A_215 : i1 to i32
      %cond3A_217 = arith.constant 0 : i32
      %cond3A_218 = arith.cmpi ne, %convert_element_type3A_216, %cond3A_217 : i32
      scf.if %cond3A_218 {
        %add3A_291 = arith.constant 24 : i32
        %add3A_292 = arith.addi %mul3A_2, %add3A_291 : i32
        %mul3A_293 = arith.constant 1024 : i32
        %mul3A_294 = arith.muli %add3A_185, %mul3A_293 : i32
        %dma_start3A = arith.constant 24 : i32
        %dma_start3A_295 = arith.constant 0 : i32
        %dma_start3A_296 = tpu.memref_slice %arg5[%dma_start3A, %dma_start3A_295] : memref<32x1024xf32, #tpu.memory_space<vmem>> -> memref<8x1024xf32, #tpu.memory_space<vmem>>
        %dma_start3A_297 = tpu.memref_slice %arg3[%add3A_292, %mul3A_294] : memref<1000x16384xf32, #tpu.memory_space<hbm>> -> memref<8x1024xf32, #tpu.memory_space<hbm>>
        %dma_start3A_298 = tpu.memref_slice %arg3[%add3A_292, %mul3A_294] : memref<1000x16384xf32, #tpu.memory_space<hbm>> -> memref<8x1024xf32, #tpu.memory_space<hbm>>
        %dma_start3A_299 = arith.constant 24 : i32
        %dma_start3A_300 = arith.constant 0 : i32
        %dma_start3A_301 = tpu.memref_slice %arg5[%dma_start3A_299, %dma_start3A_300] : memref<32x1024xf32, #tpu.memory_space<vmem>> -> memref<8x1024xf32, #tpu.memory_space<vmem>>
        tpu.enqueue_dma source(%dma_start3A_301 : memref<8x1024xf32, #tpu.memory_space<vmem>>) target(%dma_start3A_298 : memref<8x1024xf32, #tpu.memory_space<hbm>>) target_semaphore(%arg7 : memref<!tpu.dma_semaphore, #tpu.memory_space<semaphore_mem>>)
      } else {
      }
      %add3A_219 = arith.constant 1 : i32
      %add3A_220 = arith.addi %add3A_146, %add3A_219 : i32
      %sub3A_221 = arith.constant 2 : i32
      %sub3A_222 = arith.subi %add3A_220, %sub3A_221 : i32
      %add3A_223 = arith.constant 0 : i32
      %add3A_224 = arith.addi %mul3A_2, %add3A_223 : i32
      %lt3A_225 = arith.constant 1000 : i32
      %lt3A_226 = arith.cmpi slt, %add3A_224, %lt3A_225 : i32
      %convert_element_type3A_227 = arith.extui %lt3A_226 : i1 to i32
      %cond3A_228 = arith.constant 0 : i32
      %cond3A_229 = arith.cmpi ne, %convert_element_type3A_227, %cond3A_228 : i32
      scf.if %cond3A_229 {
        %add3A_291 = arith.constant 0 : i32
        %add3A_292 = arith.addi %mul3A_2, %add3A_291 : i32
        %mul3A_293 = arith.constant 1024 : i32
        %mul3A_294 = arith.muli %sub3A_222, %mul3A_293 : i32
        %dma_wait3A = arith.constant 0 : i32
        %dma_wait3A_295 = arith.constant 0 : i32
        %dma_wait3A_296 = tpu.memref_slice %arg6[%dma_wait3A, %dma_wait3A_295] : memref<32x1024xf32, #tpu.memory_space<vmem>> -> memref<8x1024xf32, #tpu.memory_space<vmem>>
        %dma_wait3A_297 = tpu.memref_slice %arg3[%add3A_292, %mul3A_294] : memref<1000x16384xf32, #tpu.memory_space<hbm>> -> memref<8x1024xf32, #tpu.memory_space<hbm>>
        %dma_wait3A_298 = tpu.memref_slice %arg3[%add3A_292, %mul3A_294] : memref<1000x16384xf32, #tpu.memory_space<hbm>> -> memref<8x1024xf32, #tpu.memory_space<hbm>>
        %dma_wait3A_299 = arith.constant 0 : i32
        %dma_wait3A_300 = arith.constant 0 : i32
        %dma_wait3A_301 = tpu.memref_slice %arg6[%dma_wait3A_299, %dma_wait3A_300] : memref<32x1024xf32, #tpu.memory_space<vmem>> -> memref<8x1024xf32, #tpu.memory_space<vmem>>
        tpu.wait_dma2 semaphore(%arg8 : memref<!tpu.dma_semaphore, #tpu.memory_space<semaphore_mem>>) src(%dma_wait3A_301 : memref<8x1024xf32, #tpu.memory_space<vmem>>) dst(%dma_wait3A_298 : memref<8x1024xf32, #tpu.memory_space<hbm>>)
      } else {
      }
      %add3A_230 = arith.constant 8 : i32
      %add3A_231 = arith.addi %mul3A_2, %add3A_230 : i32
      %lt3A_232 = arith.constant 1000 : i32
      %lt3A_233 = arith.cmpi slt, %add3A_231, %lt3A_232 : i32
      %convert_element_type3A_234 = arith.extui %lt3A_233 : i1 to i32
      %cond3A_235 = arith.constant 0 : i32
      %cond3A_236 = arith.cmpi ne, %convert_element_type3A_234, %cond3A_235 : i32
      scf.if %cond3A_236 {
        %add3A_291 = arith.constant 8 : i32
        %add3A_292 = arith.addi %mul3A_2, %add3A_291 : i32
        %mul3A_293 = arith.constant 1024 : i32
        %mul3A_294 = arith.muli %sub3A_222, %mul3A_293 : i32
        %dma_wait3A = arith.constant 8 : i32
        %dma_wait3A_295 = arith.constant 0 : i32
        %dma_wait3A_296 = tpu.memref_slice %arg6[%dma_wait3A, %dma_wait3A_295] : memref<32x1024xf32, #tpu.memory_space<vmem>> -> memref<8x1024xf32, #tpu.memory_space<vmem>>
        %dma_wait3A_297 = tpu.memref_slice %arg3[%add3A_292, %mul3A_294] : memref<1000x16384xf32, #tpu.memory_space<hbm>> -> memref<8x1024xf32, #tpu.memory_space<hbm>>
        %dma_wait3A_298 = tpu.memref_slice %arg3[%add3A_292, %mul3A_294] : memref<1000x16384xf32, #tpu.memory_space<hbm>> -> memref<8x1024xf32, #tpu.memory_space<hbm>>
        %dma_wait3A_299 = arith.constant 8 : i32
        %dma_wait3A_300 = arith.constant 0 : i32
        %dma_wait3A_301 = tpu.memref_slice %arg6[%dma_wait3A_299, %dma_wait3A_300] : memref<32x1024xf32, #tpu.memory_space<vmem>> -> memref<8x1024xf32, #tpu.memory_space<vmem>>
        tpu.wait_dma2 semaphore(%arg8 : memref<!tpu.dma_semaphore, #tpu.memory_space<semaphore_mem>>) src(%dma_wait3A_301 : memref<8x1024xf32, #tpu.memory_space<vmem>>) dst(%dma_wait3A_298 : memref<8x1024xf32, #tpu.memory_space<hbm>>)
      } else {
      }
      %add3A_237 = arith.constant 16 : i32
      %add3A_238 = arith.addi %mul3A_2, %add3A_237 : i32
      %lt3A_239 = arith.constant 1000 : i32
      %lt3A_240 = arith.cmpi slt, %add3A_238, %lt3A_239 : i32
      %convert_element_type3A_241 = arith.extui %lt3A_240 : i1 to i32
      %cond3A_242 = arith.constant 0 : i32
      %cond3A_243 = arith.cmpi ne, %convert_element_type3A_241, %cond3A_242 : i32
      scf.if %cond3A_243 {
        %add3A_291 = arith.constant 16 : i32
        %add3A_292 = arith.addi %mul3A_2, %add3A_291 : i32
        %mul3A_293 = arith.constant 1024 : i32
        %mul3A_294 = arith.muli %sub3A_222, %mul3A_293 : i32
        %dma_wait3A = arith.constant 16 : i32
        %dma_wait3A_295 = arith.constant 0 : i32
        %dma_wait3A_296 = tpu.memref_slice %arg6[%dma_wait3A, %dma_wait3A_295] : memref<32x1024xf32, #tpu.memory_space<vmem>> -> memref<8x1024xf32, #tpu.memory_space<vmem>>
        %dma_wait3A_297 = tpu.memref_slice %arg3[%add3A_292, %mul3A_294] : memref<1000x16384xf32, #tpu.memory_space<hbm>> -> memref<8x1024xf32, #tpu.memory_space<hbm>>
        %dma_wait3A_298 = tpu.memref_slice %arg3[%add3A_292, %mul3A_294] : memref<1000x16384xf32, #tpu.memory_space<hbm>> -> memref<8x1024xf32, #tpu.memory_space<hbm>>
        %dma_wait3A_299 = arith.constant 16 : i32
        %dma_wait3A_300 = arith.constant 0 : i32
        %dma_wait3A_301 = tpu.memref_slice %arg6[%dma_wait3A_299, %dma_wait3A_300] : memref<32x1024xf32, #tpu.memory_space<vmem>> -> memref<8x1024xf32, #tpu.memory_space<vmem>>
        tpu.wait_dma2 semaphore(%arg8 : memref<!tpu.dma_semaphore, #tpu.memory_space<semaphore_mem>>) src(%dma_wait3A_301 : memref<8x1024xf32, #tpu.memory_space<vmem>>) dst(%dma_wait3A_298 : memref<8x1024xf32, #tpu.memory_space<hbm>>)
      } else {
      }
      %add3A_244 = arith.constant 24 : i32
      %add3A_245 = arith.addi %mul3A_2, %add3A_244 : i32
      %lt3A_246 = arith.constant 1000 : i32
      %lt3A_247 = arith.cmpi slt, %add3A_245, %lt3A_246 : i32
      %convert_element_type3A_248 = arith.extui %lt3A_247 : i1 to i32
      %cond3A_249 = arith.constant 0 : i32
      %cond3A_250 = arith.cmpi ne, %convert_element_type3A_248, %cond3A_249 : i32
      scf.if %cond3A_250 {
        %add3A_291 = arith.constant 24 : i32
        %add3A_292 = arith.addi %mul3A_2, %add3A_291 : i32
        %mul3A_293 = arith.constant 1024 : i32
        %mul3A_294 = arith.muli %sub3A_222, %mul3A_293 : i32
        %dma_wait3A = arith.constant 24 : i32
        %dma_wait3A_295 = arith.constant 0 : i32
        %dma_wait3A_296 = tpu.memref_slice %arg6[%dma_wait3A, %dma_wait3A_295] : memref<32x1024xf32, #tpu.memory_space<vmem>> -> memref<8x1024xf32, #tpu.memory_space<vmem>>
        %dma_wait3A_297 = tpu.memref_slice %arg3[%add3A_292, %mul3A_294] : memref<1000x16384xf32, #tpu.memory_space<hbm>> -> memref<8x1024xf32, #tpu.memory_space<hbm>>
        %dma_wait3A_298 = tpu.memref_slice %arg3[%add3A_292, %mul3A_294] : memref<1000x16384xf32, #tpu.memory_space<hbm>> -> memref<8x1024xf32, #tpu.memory_space<hbm>>
        %dma_wait3A_299 = arith.constant 24 : i32
        %dma_wait3A_300 = arith.constant 0 : i32
        %dma_wait3A_301 = tpu.memref_slice %arg6[%dma_wait3A_299, %dma_wait3A_300] : memref<32x1024xf32, #tpu.memory_space<vmem>> -> memref<8x1024xf32, #tpu.memory_space<vmem>>
        tpu.wait_dma2 semaphore(%arg8 : memref<!tpu.dma_semaphore, #tpu.memory_space<semaphore_mem>>) src(%dma_wait3A_301 : memref<8x1024xf32, #tpu.memory_space<vmem>>) dst(%dma_wait3A_298 : memref<8x1024xf32, #tpu.memory_space<hbm>>)
      } else {
      }
      %scan3A_251 = arith.constant 0 : i32
      %scan3A_252 = arith.constant 64 : i32
      %scan3A_253 = arith.addi %scan3A_251, %scan3A_252 : i32
      %scan3A_254 = arith.constant 1 : i32
      scf.for %scan3A_291 = %scan3A_251 to %scan3A_253 step %scan3A_254  : i32 {
        %mul3A_292 = arith.constant 1 : i32
        %mul3A_293 = arith.muli %scan3A_291, %mul3A_292 : i32
        %add3A_294 = arith.constant 0 : i32
        %add3A_295 = arith.addi %add3A_294, %mul3A_293 : i32
        %mul3A_296 = arith.constant 1024 : i32
        %mul3A_297 = arith.muli %sub3A_222, %mul3A_296 : i32
        %mul3A_298 = arith.constant 16 : i32
        %mul3A_299 = arith.muli %add3A_295, %mul3A_298 : i32
        %add3A_300 = arith.addi %mul3A_297, %mul3A_299 : i32
        %get3A = arith.index_cast %add3A_300 : i32 to index
        %get3A_301 = tpu.vector_load %arg4[%get3A] {strides = array<i32>} : memref<16384xi32, #tpu.memory_space<vmem>>, vector<16xi32>,
        %sub3A_302 = vector.broadcast %mul3A_2 : i32 to vector<16xi32>
        %sub3A_303 = arith.subi %get3A_301, %sub3A_302 : vector<16xi32>
        %bitcast3A = vector.bitcast %sub3A_303 : vector<16xi32> to vector<16xi32>
        %lt3A_304 = vector.broadcast %sub3A : i32 to vector<16xi32>
        %lt3A_305 = arith.cmpi ult, %bitcast3A, %lt3A_304 : vector<16xi32>
        %mul3A_306 = arith.constant 16 : i32
        %mul3A_307 = arith.muli %add3A_295, %mul3A_306 : i32
        %add3A_308 = vector.broadcast %mul3A_307 : i32 to vector<16xi32>
        %add3A_309 = arith.addi %add3A_308, %iota3A : vector<16xi32>
        tpu.vector_store_idx %arg6[%sub3A_303, %add3A_309], %broadcast_in_dim3A_6 masked %lt3A_305 : memref<32x1024xf32, #tpu.memory_space<vmem>>[vector<16xi32>, vector<16xi32>], vector<16xf32>, vector<16xi1>
      }
      %scan3A_255 = arith.constant 64 : i32
      %add3A_256 = arith.constant 1 : i32
      %add3A_257 = arith.addi %add3A_146, %add3A_256 : i32
      %scan3A_258 = arith.constant 0 : i32
      %scan3A_259 = arith.constant 64 : i32
      %scan3A_260 = arith.addi %scan3A_258, %scan3A_259 : i32
      %scan3A_261 = arith.constant 1 : i32
      scf.for %scan3A_291 = %scan3A_258 to %scan3A_260 step %scan3A_261  : i32 {
        %mul3A_292 = arith.constant 1 : i32
        %mul3A_293 = arith.muli %scan3A_291, %mul3A_292 : i32
        %add3A_294 = arith.constant 0 : i32
        %add3A_295 = arith.addi %add3A_294, %mul3A_293 : i32
        %mul3A_296 = arith.constant 1024 : i32
        %mul3A_297 = arith.muli %add3A_257, %mul3A_296 : i32
        %mul3A_298 = arith.constant 16 : i32
        %mul3A_299 = arith.muli %add3A_295, %mul3A_298 : i32
        %add3A_300 = arith.addi %mul3A_297, %mul3A_299 : i32
        %get3A = arith.index_cast %add3A_300 : i32 to index
        %get3A_301 = tpu.vector_load %arg4[%get3A] {strides = array<i32>} : memref<16384xi32, #tpu.memory_space<vmem>>, vector<16xi32>,
        %sub3A_302 = vector.broadcast %mul3A_2 : i32 to vector<16xi32>
        %sub3A_303 = arith.subi %get3A_301, %sub3A_302 : vector<16xi32>
        %bitcast3A = vector.bitcast %sub3A_303 : vector<16xi32> to vector<16xi32>
        %lt3A_304 = vector.broadcast %sub3A : i32 to vector<16xi32>
        %lt3A_305 = arith.cmpi ult, %bitcast3A, %lt3A_304 : vector<16xi32>
        %mul3A_306 = arith.constant 16 : i32
        %mul3A_307 = arith.muli %add3A_295, %mul3A_306 : i32
        %add3A_308 = vector.broadcast %mul3A_307 : i32 to vector<16xi32>
        %add3A_309 = arith.addi %add3A_308, %iota3A : vector<16xi32>
        tpu.vector_store_idx %arg6[%sub3A_303, %add3A_309], %broadcast_in_dim3A_8 masked %lt3A_305 : memref<32x1024xf32, #tpu.memory_space<vmem>>[vector<16xi32>, vector<16xi32>], vector<16xf32>, vector<16xi1>
      }
      %scan3A_262 = arith.constant 64 : i32
      %add3A_263 = arith.constant 0 : i32
      %add3A_264 = arith.addi %mul3A_2, %add3A_263 : i32
      %lt3A_265 = arith.constant 1000 : i32
      %lt3A_266 = arith.cmpi slt, %add3A_264, %lt3A_265 : i32
      %convert_element_type3A_267 = arith.extui %lt3A_266 : i1 to i32
      %cond3A_268 = arith.constant 0 : i32
      %cond3A_269 = arith.cmpi ne, %convert_element_type3A_267, %cond3A_268 : i32
      scf.if %cond3A_269 {
        %add3A_291 = arith.constant 0 : i32
        %add3A_292 = arith.addi %mul3A_2, %add3A_291 : i32
        %mul3A_293 = arith.constant 1024 : i32
        %mul3A_294 = arith.muli %add3A_257, %mul3A_293 : i32
        %dma_start3A = arith.constant 0 : i32
        %dma_start3A_295 = arith.constant 0 : i32
        %dma_start3A_296 = tpu.memref_slice %arg6[%dma_start3A, %dma_start3A_295] : memref<32x1024xf32, #tpu.memory_space<vmem>> -> memref<8x1024xf32, #tpu.memory_space<vmem>>
        %dma_start3A_297 = tpu.memref_slice %arg3[%add3A_292, %mul3A_294] : memref<1000x16384xf32, #tpu.memory_space<hbm>> -> memref<8x1024xf32, #tpu.memory_space<hbm>>
        %dma_start3A_298 = tpu.memref_slice %arg3[%add3A_292, %mul3A_294] : memref<1000x16384xf32, #tpu.memory_space<hbm>> -> memref<8x1024xf32, #tpu.memory_space<hbm>>
        %dma_start3A_299 = arith.constant 0 : i32
        %dma_start3A_300 = arith.constant 0 : i32
        %dma_start3A_301 = tpu.memref_slice %arg6[%dma_start3A_299, %dma_start3A_300] : memref<32x1024xf32, #tpu.memory_space<vmem>> -> memref<8x1024xf32, #tpu.memory_space<vmem>>
        tpu.enqueue_dma source(%dma_start3A_301 : memref<8x1024xf32, #tpu.memory_space<vmem>>) target(%dma_start3A_298 : memref<8x1024xf32, #tpu.memory_space<hbm>>) target_semaphore(%arg8 : memref<!tpu.dma_semaphore, #tpu.memory_space<semaphore_mem>>)
      } else {
      }
      %add3A_270 = arith.constant 8 : i32
      %add3A_271 = arith.addi %mul3A_2, %add3A_270 : i32
      %lt3A_272 = arith.constant 1000 : i32
      %lt3A_273 = arith.cmpi slt, %add3A_271, %lt3A_272 : i32
      %convert_element_type3A_274 = arith.extui %lt3A_273 : i1 to i32
      %cond3A_275 = arith.constant 0 : i32
      %cond3A_276 = arith.cmpi ne, %convert_element_type3A_274, %cond3A_275 : i32
      scf.if %cond3A_276 {
        %add3A_291 = arith.constant 8 : i32
        %add3A_292 = arith.addi %mul3A_2, %add3A_291 : i32
        %mul3A_293 = arith.constant 1024 : i32
        %mul3A_294 = arith.muli %add3A_257, %mul3A_293 : i32
        %dma_start3A = arith.constant 8 : i32
        %dma_start3A_295 = arith.constant 0 : i32
        %dma_start3A_296 = tpu.memref_slice %arg6[%dma_start3A, %dma_start3A_295] : memref<32x1024xf32, #tpu.memory_space<vmem>> -> memref<8x1024xf32, #tpu.memory_space<vmem>>
        %dma_start3A_297 = tpu.memref_slice %arg3[%add3A_292, %mul3A_294] : memref<1000x16384xf32, #tpu.memory_space<hbm>> -> memref<8x1024xf32, #tpu.memory_space<hbm>>
        %dma_start3A_298 = tpu.memref_slice %arg3[%add3A_292, %mul3A_294] : memref<1000x16384xf32, #tpu.memory_space<hbm>> -> memref<8x1024xf32, #tpu.memory_space<hbm>>
        %dma_start3A_299 = arith.constant 8 : i32
        %dma_start3A_300 = arith.constant 0 : i32
        %dma_start3A_301 = tpu.memref_slice %arg6[%dma_start3A_299, %dma_start3A_300] : memref<32x1024xf32, #tpu.memory_space<vmem>> -> memref<8x1024xf32, #tpu.memory_space<vmem>>
        tpu.enqueue_dma source(%dma_start3A_301 : memref<8x1024xf32, #tpu.memory_space<vmem>>) target(%dma_start3A_298 : memref<8x1024xf32, #tpu.memory_space<hbm>>) target_semaphore(%arg8 : memref<!tpu.dma_semaphore, #tpu.memory_space<semaphore_mem>>)
      } else {
      }
      %add3A_277 = arith.constant 16 : i32
      %add3A_278 = arith.addi %mul3A_2, %add3A_277 : i32
      %lt3A_279 = arith.constant 1000 : i32
      %lt3A_280 = arith.cmpi slt, %add3A_278, %lt3A_279 : i32
      %convert_element_type3A_281 = arith.extui %lt3A_280 : i1 to i32
      %cond3A_282 = arith.constant 0 : i32
      %cond3A_283 = arith.cmpi ne, %convert_element_type3A_281, %cond3A_282 : i32
      scf.if %cond3A_283 {
        %add3A_291 = arith.constant 16 : i32
        %add3A_292 = arith.addi %mul3A_2, %add3A_291 : i32
        %mul3A_293 = arith.constant 1024 : i32
        %mul3A_294 = arith.muli %add3A_257, %mul3A_293 : i32
        %dma_start3A = arith.constant 16 : i32
        %dma_start3A_295 = arith.constant 0 : i32
        %dma_start3A_296 = tpu.memref_slice %arg6[%dma_start3A, %dma_start3A_295] : memref<32x1024xf32, #tpu.memory_space<vmem>> -> memref<8x1024xf32, #tpu.memory_space<vmem>>
        %dma_start3A_297 = tpu.memref_slice %arg3[%add3A_292, %mul3A_294] : memref<1000x16384xf32, #tpu.memory_space<hbm>> -> memref<8x1024xf32, #tpu.memory_space<hbm>>
        %dma_start3A_298 = tpu.memref_slice %arg3[%add3A_292, %mul3A_294] : memref<1000x16384xf32, #tpu.memory_space<hbm>> -> memref<8x1024xf32, #tpu.memory_space<hbm>>
        %dma_start3A_299 = arith.constant 16 : i32
        %dma_start3A_300 = arith.constant 0 : i32
        %dma_start3A_301 = tpu.memref_slice %arg6[%dma_start3A_299, %dma_start3A_300] : memref<32x1024xf32, #tpu.memory_space<vmem>> -> memref<8x1024xf32, #tpu.memory_space<vmem>>
        tpu.enqueue_dma source(%dma_start3A_301 : memref<8x1024xf32, #tpu.memory_space<vmem>>) target(%dma_start3A_298 : memref<8x1024xf32, #tpu.memory_space<hbm>>) target_semaphore(%arg8 : memref<!tpu.dma_semaphore, #tpu.memory_space<semaphore_mem>>)
      } else {
      }
      %add3A_284 = arith.constant 24 : i32
      %add3A_285 = arith.addi %mul3A_2, %add3A_284 : i32
      %lt3A_286 = arith.constant 1000 : i32
      %lt3A_287 = arith.cmpi slt, %add3A_285, %lt3A_286 : i32
      %convert_element_type3A_288 = arith.extui %lt3A_287 : i1 to i32
      %cond3A_289 = arith.constant 0 : i32
      %cond3A_290 = arith.cmpi ne, %convert_element_type3A_288, %cond3A_289 : i32
      scf.if %cond3A_290 {
        %add3A_291 = arith.constant 24 : i32
        %add3A_292 = arith.addi %mul3A_2, %add3A_291 : i32
        %mul3A_293 = arith.constant 1024 : i32
        %mul3A_294 = arith.muli %add3A_257, %mul3A_293 : i32
        %dma_start3A = arith.constant 24 : i32
        %dma_start3A_295 = arith.constant 0 : i32
        %dma_start3A_296 = tpu.memref_slice %arg6[%dma_start3A, %dma_start3A_295] : memref<32x1024xf32, #tpu.memory_space<vmem>> -> memref<8x1024xf32, #tpu.memory_space<vmem>>
        %dma_start3A_297 = tpu.memref_slice %arg3[%add3A_292, %mul3A_294] : memref<1000x16384xf32, #tpu.memory_space<hbm>> -> memref<8x1024xf32, #tpu.memory_space<hbm>>
        %dma_start3A_298 = tpu.memref_slice %arg3[%add3A_292, %mul3A_294] : memref<1000x16384xf32, #tpu.memory_space<hbm>> -> memref<8x1024xf32, #tpu.memory_space<hbm>>
        %dma_start3A_299 = arith.constant 24 : i32
        %dma_start3A_300 = arith.constant 0 : i32
        %dma_start3A_301 = tpu.memref_slice %arg6[%dma_start3A_299, %dma_start3A_300] : memref<32x1024xf32, #tpu.memory_space<vmem>> -> memref<8x1024xf32, #tpu.memory_space<vmem>>
        tpu.enqueue_dma source(%dma_start3A_301 : memref<8x1024xf32, #tpu.memory_space<vmem>>) target(%dma_start3A_298 : memref<8x1024xf32, #tpu.memory_space<hbm>>) target_semaphore(%arg8 : memref<!tpu.dma_semaphore, #tpu.memory_space<semaphore_mem>>)
      } else {
      }
    }
    %scan3A_85 = arith.constant 7 : i32
    %add3A_86 = arith.constant 0 : i32
    %add3A_87 = arith.addi %mul3A_2, %add3A_86 : i32
    %lt3A_88 = arith.constant 1000 : i32
    %lt3A_89 = arith.cmpi slt, %add3A_87, %lt3A_88 : i32
    %convert_element_type3A_90 = arith.extui %lt3A_89 : i1 to i32
    %cond3A_91 = arith.constant 0 : i32
    %cond3A_92 = arith.cmpi ne, %convert_element_type3A_90, %cond3A_91 : i32
    scf.if %cond3A_92 {
      %add3A_142 = arith.constant 0 : i32
      %add3A_143 = arith.addi %mul3A_2, %add3A_142 : i32
      %dma_wait3A = arith.constant 0 : i32
      %dma_wait3A_144 = arith.constant 0 : i32
      %dma_wait3A_145 = tpu.memref_slice %arg5[%dma_wait3A, %dma_wait3A_144] : memref<32x1024xf32, #tpu.memory_space<vmem>> -> memref<8x1024xf32, #tpu.memory_space<vmem>>
      %dma_wait3A_146 = arith.constant 14336 : i32
      %dma_wait3A_147 = tpu.memref_slice %arg3[%add3A_143, %dma_wait3A_146] : memref<1000x16384xf32, #tpu.memory_space<hbm>> -> memref<8x1024xf32, #tpu.memory_space<hbm>>
      %dma_wait3A_148 = arith.constant 14336 : i32
      %dma_wait3A_149 = tpu.memref_slice %arg3[%add3A_143, %dma_wait3A_148] : memref<1000x16384xf32, #tpu.memory_space<hbm>> -> memref<8x1024xf32, #tpu.memory_space<hbm>>
      %dma_wait3A_150 = arith.constant 0 : i32
      %dma_wait3A_151 = arith.constant 0 : i32
      %dma_wait3A_152 = tpu.memref_slice %arg5[%dma_wait3A_150, %dma_wait3A_151] : memref<32x1024xf32, #tpu.memory_space<vmem>> -> memref<8x1024xf32, #tpu.memory_space<vmem>>
      tpu.wait_dma2 semaphore(%arg7 : memref<!tpu.dma_semaphore, #tpu.memory_space<semaphore_mem>>) src(%dma_wait3A_152 : memref<8x1024xf32, #tpu.memory_space<vmem>>) dst(%dma_wait3A_149 : memref<8x1024xf32, #tpu.memory_space<hbm>>)
    } else {
    }
    %add3A_93 = arith.constant 8 : i32
    %add3A_94 = arith.addi %mul3A_2, %add3A_93 : i32
    %lt3A_95 = arith.constant 1000 : i32
    %lt3A_96 = arith.cmpi slt, %add3A_94, %lt3A_95 : i32
    %convert_element_type3A_97 = arith.extui %lt3A_96 : i1 to i32
    %cond3A_98 = arith.constant 0 : i32
    %cond3A_99 = arith.cmpi ne, %convert_element_type3A_97, %cond3A_98 : i32
    scf.if %cond3A_99 {
      %add3A_142 = arith.constant 8 : i32
      %add3A_143 = arith.addi %mul3A_2, %add3A_142 : i32
      %dma_wait3A = arith.constant 8 : i32
      %dma_wait3A_144 = arith.constant 0 : i32
      %dma_wait3A_145 = tpu.memref_slice %arg5[%dma_wait3A, %dma_wait3A_144] : memref<32x1024xf32, #tpu.memory_space<vmem>> -> memref<8x1024xf32, #tpu.memory_space<vmem>>
      %dma_wait3A_146 = arith.constant 14336 : i32
      %dma_wait3A_147 = tpu.memref_slice %arg3[%add3A_143, %dma_wait3A_146] : memref<1000x16384xf32, #tpu.memory_space<hbm>> -> memref<8x1024xf32, #tpu.memory_space<hbm>>
      %dma_wait3A_148 = arith.constant 14336 : i32
      %dma_wait3A_149 = tpu.memref_slice %arg3[%add3A_143, %dma_wait3A_148] : memref<1000x16384xf32, #tpu.memory_space<hbm>> -> memref<8x1024xf32, #tpu.memory_space<hbm>>
      %dma_wait3A_150 = arith.constant 8 : i32
      %dma_wait3A_151 = arith.constant 0 : i32
      %dma_wait3A_152 = tpu.memref_slice %arg5[%dma_wait3A_150, %dma_wait3A_151] : memref<32x1024xf32, #tpu.memory_space<vmem>> -> memref<8x1024xf32, #tpu.memory_space<vmem>>
      tpu.wait_dma2 semaphore(%arg7 : memref<!tpu.dma_semaphore, #tpu.memory_space<semaphore_mem>>) src(%dma_wait3A_152 : memref<8x1024xf32, #tpu.memory_space<vmem>>) dst(%dma_wait3A_149 : memref<8x1024xf32, #tpu.memory_space<hbm>>)
    } else {
    }
    %add3A_100 = arith.constant 16 : i32
    %add3A_101 = arith.addi %mul3A_2, %add3A_100 : i32
    %lt3A_102 = arith.constant 1000 : i32
    %lt3A_103 = arith.cmpi slt, %add3A_101, %lt3A_102 : i32
    %convert_element_type3A_104 = arith.extui %lt3A_103 : i1 to i32
    %cond3A_105 = arith.constant 0 : i32
    %cond3A_106 = arith.cmpi ne, %convert_element_type3A_104, %cond3A_105 : i32
    scf.if %cond3A_106 {
      %add3A_142 = arith.constant 16 : i32
      %add3A_143 = arith.addi %mul3A_2, %add3A_142 : i32
      %dma_wait3A = arith.constant 16 : i32
      %dma_wait3A_144 = arith.constant 0 : i32
      %dma_wait3A_145 = tpu.memref_slice %arg5[%dma_wait3A, %dma_wait3A_144] : memref<32x1024xf32, #tpu.memory_space<vmem>> -> memref<8x1024xf32, #tpu.memory_space<vmem>>
      %dma_wait3A_146 = arith.constant 14336 : i32
      %dma_wait3A_147 = tpu.memref_slice %arg3[%add3A_143, %dma_wait3A_146] : memref<1000x16384xf32, #tpu.memory_space<hbm>> -> memref<8x1024xf32, #tpu.memory_space<hbm>>
      %dma_wait3A_148 = arith.constant 14336 : i32
      %dma_wait3A_149 = tpu.memref_slice %arg3[%add3A_143, %dma_wait3A_148] : memref<1000x16384xf32, #tpu.memory_space<hbm>> -> memref<8x1024xf32, #tpu.memory_space<hbm>>
      %dma_wait3A_150 = arith.constant 16 : i32
      %dma_wait3A_151 = arith.constant 0 : i32
      %dma_wait3A_152 = tpu.memref_slice %arg5[%dma_wait3A_150, %dma_wait3A_151] : memref<32x1024xf32, #tpu.memory_space<vmem>> -> memref<8x1024xf32, #tpu.memory_space<vmem>>
      tpu.wait_dma2 semaphore(%arg7 : memref<!tpu.dma_semaphore, #tpu.memory_space<semaphore_mem>>) src(%dma_wait3A_152 : memref<8x1024xf32, #tpu.memory_space<vmem>>) dst(%dma_wait3A_149 : memref<8x1024xf32, #tpu.memory_space<hbm>>)
    } else {
    }
    %add3A_107 = arith.constant 24 : i32
    %add3A_108 = arith.addi %mul3A_2, %add3A_107 : i32
    %lt3A_109 = arith.constant 1000 : i32
    %lt3A_110 = arith.cmpi slt, %add3A_108, %lt3A_109 : i32
    %convert_element_type3A_111 = arith.extui %lt3A_110 : i1 to i32
    %cond3A_112 = arith.constant 0 : i32
    %cond3A_113 = arith.cmpi ne, %convert_element_type3A_111, %cond3A_112 : i32
    scf.if %cond3A_113 {
      %add3A_142 = arith.constant 24 : i32
      %add3A_143 = arith.addi %mul3A_2, %add3A_142 : i32
      %dma_wait3A = arith.constant 24 : i32
      %dma_wait3A_144 = arith.constant 0 : i32
      %dma_wait3A_145 = tpu.memref_slice %arg5[%dma_wait3A, %dma_wait3A_144] : memref<32x1024xf32, #tpu.memory_space<vmem>> -> memref<8x1024xf32, #tpu.memory_space<vmem>>
      %dma_wait3A_146 = arith.constant 14336 : i32
      %dma_wait3A_147 = tpu.memref_slice %arg3[%add3A_143, %dma_wait3A_146] : memref<1000x16384xf32, #tpu.memory_space<hbm>> -> memref<8x1024xf32, #tpu.memory_space<hbm>>
      %dma_wait3A_148 = arith.constant 14336 : i32
      %dma_wait3A_149 = tpu.memref_slice %arg3[%add3A_143, %dma_wait3A_148] : memref<1000x16384xf32, #tpu.memory_space<hbm>> -> memref<8x1024xf32, #tpu.memory_space<hbm>>
      %dma_wait3A_150 = arith.constant 24 : i32
      %dma_wait3A_151 = arith.constant 0 : i32
      %dma_wait3A_152 = tpu.memref_slice %arg5[%dma_wait3A_150, %dma_wait3A_151] : memref<32x1024xf32, #tpu.memory_space<vmem>> -> memref<8x1024xf32, #tpu.memory_space<vmem>>
      tpu.wait_dma2 semaphore(%arg7 : memref<!tpu.dma_semaphore, #tpu.memory_space<semaphore_mem>>) src(%dma_wait3A_152 : memref<8x1024xf32, #tpu.memory_space<vmem>>) dst(%dma_wait3A_149 : memref<8x1024xf32, #tpu.memory_space<hbm>>)
    } else {
    }
    %add3A_114 = arith.constant 0 : i32
    %add3A_115 = arith.addi %mul3A_2, %add3A_114 : i32
    %lt3A_116 = arith.constant 1000 : i32
    %lt3A_117 = arith.cmpi slt, %add3A_115, %lt3A_116 : i32
    %convert_element_type3A_118 = arith.extui %lt3A_117 : i1 to i32
    %cond3A_119 = arith.constant 0 : i32
    %cond3A_120 = arith.cmpi ne, %convert_element_type3A_118, %cond3A_119 : i32
    scf.if %cond3A_120 {
      %add3A_142 = arith.constant 0 : i32
      %add3A_143 = arith.addi %mul3A_2, %add3A_142 : i32
      %dma_wait3A = arith.constant 0 : i32
      %dma_wait3A_144 = arith.constant 0 : i32
      %dma_wait3A_145 = tpu.memref_slice %arg6[%dma_wait3A, %dma_wait3A_144] : memref<32x1024xf32, #tpu.memory_space<vmem>> -> memref<8x1024xf32, #tpu.memory_space<vmem>>
      %dma_wait3A_146 = arith.constant 15360 : i32
      %dma_wait3A_147 = tpu.memref_slice %arg3[%add3A_143, %dma_wait3A_146] : memref<1000x16384xf32, #tpu.memory_space<hbm>> -> memref<8x1024xf32, #tpu.memory_space<hbm>>
      %dma_wait3A_148 = arith.constant 15360 : i32
      %dma_wait3A_149 = tpu.memref_slice %arg3[%add3A_143, %dma_wait3A_148] : memref<1000x16384xf32, #tpu.memory_space<hbm>> -> memref<8x1024xf32, #tpu.memory_space<hbm>>
      %dma_wait3A_150 = arith.constant 0 : i32
      %dma_wait3A_151 = arith.constant 0 : i32
      %dma_wait3A_152 = tpu.memref_slice %arg6[%dma_wait3A_150, %dma_wait3A_151] : memref<32x1024xf32, #tpu.memory_space<vmem>> -> memref<8x1024xf32, #tpu.memory_space<vmem>>
      tpu.wait_dma2 semaphore(%arg8 : memref<!tpu.dma_semaphore, #tpu.memory_space<semaphore_mem>>) src(%dma_wait3A_152 : memref<8x1024xf32, #tpu.memory_space<vmem>>) dst(%dma_wait3A_149 : memref<8x1024xf32, #tpu.memory_space<hbm>>)
    } else {
    }
    %add3A_121 = arith.constant 8 : i32
    %add3A_122 = arith.addi %mul3A_2, %add3A_121 : i32
    %lt3A_123 = arith.constant 1000 : i32
    %lt3A_124 = arith.cmpi slt, %add3A_122, %lt3A_123 : i32
    %convert_element_type3A_125 = arith.extui %lt3A_124 : i1 to i32
    %cond3A_126 = arith.constant 0 : i32
    %cond3A_127 = arith.cmpi ne, %convert_element_type3A_125, %cond3A_126 : i32
    scf.if %cond3A_127 {
      %add3A_142 = arith.constant 8 : i32
      %add3A_143 = arith.addi %mul3A_2, %add3A_142 : i32
      %dma_wait3A = arith.constant 8 : i32
      %dma_wait3A_144 = arith.constant 0 : i32
      %dma_wait3A_145 = tpu.memref_slice %arg6[%dma_wait3A, %dma_wait3A_144] : memref<32x1024xf32, #tpu.memory_space<vmem>> -> memref<8x1024xf32, #tpu.memory_space<vmem>>
      %dma_wait3A_146 = arith.constant 15360 : i32
      %dma_wait3A_147 = tpu.memref_slice %arg3[%add3A_143, %dma_wait3A_146] : memref<1000x16384xf32, #tpu.memory_space<hbm>> -> memref<8x1024xf32, #tpu.memory_space<hbm>>
      %dma_wait3A_148 = arith.constant 15360 : i32
      %dma_wait3A_149 = tpu.memref_slice %arg3[%add3A_143, %dma_wait3A_148] : memref<1000x16384xf32, #tpu.memory_space<hbm>> -> memref<8x1024xf32, #tpu.memory_space<hbm>>
      %dma_wait3A_150 = arith.constant 8 : i32
      %dma_wait3A_151 = arith.constant 0 : i32
      %dma_wait3A_152 = tpu.memref_slice %arg6[%dma_wait3A_150, %dma_wait3A_151] : memref<32x1024xf32, #tpu.memory_space<vmem>> -> memref<8x1024xf32, #tpu.memory_space<vmem>>
      tpu.wait_dma2 semaphore(%arg8 : memref<!tpu.dma_semaphore, #tpu.memory_space<semaphore_mem>>) src(%dma_wait3A_152 : memref<8x1024xf32, #tpu.memory_space<vmem>>) dst(%dma_wait3A_149 : memref<8x1024xf32, #tpu.memory_space<hbm>>)
    } else {
    }
    %add3A_128 = arith.constant 16 : i32
    %add3A_129 = arith.addi %mul3A_2, %add3A_128 : i32
    %lt3A_130 = arith.constant 1000 : i32
    %lt3A_131 = arith.cmpi slt, %add3A_129, %lt3A_130 : i32
    %convert_element_type3A_132 = arith.extui %lt3A_131 : i1 to i32
    %cond3A_133 = arith.constant 0 : i32
    %cond3A_134 = arith.cmpi ne, %convert_element_type3A_132, %cond3A_133 : i32
    scf.if %cond3A_134 {
      %add3A_142 = arith.constant 16 : i32
      %add3A_143 = arith.addi %mul3A_2, %add3A_142 : i32
      %dma_wait3A = arith.constant 16 : i32
      %dma_wait3A_144 = arith.constant 0 : i32
      %dma_wait3A_145 = tpu.memref_slice %arg6[%dma_wait3A, %dma_wait3A_144] : memref<32x1024xf32, #tpu.memory_space<vmem>> -> memref<8x1024xf32, #tpu.memory_space<vmem>>
      %dma_wait3A_146 = arith.constant 15360 : i32
      %dma_wait3A_147 = tpu.memref_slice %arg3[%add3A_143, %dma_wait3A_146] : memref<1000x16384xf32, #tpu.memory_space<hbm>> -> memref<8x1024xf32, #tpu.memory_space<hbm>>
      %dma_wait3A_148 = arith.constant 15360 : i32
      %dma_wait3A_149 = tpu.memref_slice %arg3[%add3A_143, %dma_wait3A_148] : memref<1000x16384xf32, #tpu.memory_space<hbm>> -> memref<8x1024xf32, #tpu.memory_space<hbm>>
      %dma_wait3A_150 = arith.constant 16 : i32
      %dma_wait3A_151 = arith.constant 0 : i32
      %dma_wait3A_152 = tpu.memref_slice %arg6[%dma_wait3A_150, %dma_wait3A_151] : memref<32x1024xf32, #tpu.memory_space<vmem>> -> memref<8x1024xf32, #tpu.memory_space<vmem>>
      tpu.wait_dma2 semaphore(%arg8 : memref<!tpu.dma_semaphore, #tpu.memory_space<semaphore_mem>>) src(%dma_wait3A_152 : memref<8x1024xf32, #tpu.memory_space<vmem>>) dst(%dma_wait3A_149 : memref<8x1024xf32, #tpu.memory_space<hbm>>)
    } else {
    }
    %add3A_135 = arith.constant 24 : i32
    %add3A_136 = arith.addi %mul3A_2, %add3A_135 : i32
    %lt3A_137 = arith.constant 1000 : i32
    %lt3A_138 = arith.cmpi slt, %add3A_136, %lt3A_137 : i32
    %convert_element_type3A_139 = arith.extui %lt3A_138 : i1 to i32
    %cond3A_140 = arith.constant 0 : i32
    %cond3A_141 = arith.cmpi ne, %convert_element_type3A_139, %cond3A_140 : i32
    scf.if %cond3A_141 {
      %add3A_142 = arith.constant 24 : i32
      %add3A_143 = arith.addi %mul3A_2, %add3A_142 : i32
      %dma_wait3A = arith.constant 24 : i32
      %dma_wait3A_144 = arith.constant 0 : i32
      %dma_wait3A_145 = tpu.memref_slice %arg6[%dma_wait3A, %dma_wait3A_144] : memref<32x1024xf32, #tpu.memory_space<vmem>> -> memref<8x1024xf32, #tpu.memory_space<vmem>>
      %dma_wait3A_146 = arith.constant 15360 : i32
      %dma_wait3A_147 = tpu.memref_slice %arg3[%add3A_143, %dma_wait3A_146] : memref<1000x16384xf32, #tpu.memory_space<hbm>> -> memref<8x1024xf32, #tpu.memory_space<hbm>>
      %dma_wait3A_148 = arith.constant 15360 : i32
      %dma_wait3A_149 = tpu.memref_slice %arg3[%add3A_143, %dma_wait3A_148] : memref<1000x16384xf32, #tpu.memory_space<hbm>> -> memref<8x1024xf32, #tpu.memory_space<hbm>>
      %dma_wait3A_150 = arith.constant 24 : i32
      %dma_wait3A_151 = arith.constant 0 : i32
      %dma_wait3A_152 = tpu.memref_slice %arg6[%dma_wait3A_150, %dma_wait3A_151] : memref<32x1024xf32, #tpu.memory_space<vmem>> -> memref<8x1024xf32, #tpu.memory_space<vmem>>
      tpu.wait_dma2 semaphore(%arg8 : memref<!tpu.dma_semaphore, #tpu.memory_space<semaphore_mem>>) src(%dma_wait3A_152 : memref<8x1024xf32, #tpu.memory_space<vmem>>) dst(%dma_wait3A_149 : memref<8x1024xf32, #tpu.memory_space<hbm>>)
    } else {
    }
    return
  }
}

</mosaic_0001>

<sc_bundles>
// kernel: kernel.3.cloned.1.call-start
scs
__scs_entry_jumppad:
0x0: {  	(pc) =	sbr.rel $0x88, $3  }
0x1: {  	(tag) =	ssettag $0x0;
	lr =	simm.s32 $0x1  }
0x2: {  	[smem:$0x3FA0] =	sst lr;
	_ =	strace $0xD0000000  }
0x3: {  	_ = 	snop  }
0x4: {  	_ = 	snop  }
0x5: {  	_ = 	snop  }
0x6: {  	_ = 	snop  }
0x7: {  	_ = 	snop  }
__scs_overlays_trampoline_lowered:
0x8: {  	[smem:$0x3FAF] =	sst s0  }
0x9: {  	[smem:$0x3FB0] =	sst s1  }
0xa: {  	[smem:$0x3FB1] =	sst s2  }
0xb: {  	[smem:$0x3FB2] =	sst s3  }
0xc: {  	[smem:$0x3FB3] =	sst s4  }
0xd: {  	[smem:$0x3FB4] =	sst s5  }
0xe: {  	[smem:$0x3FB5] =	sst s6  }
0xf: {  	[smem:$0x3FB6] =	sst s7  }
0x10: {  	[smem:$0x3FB7] =	sst s8  }
0x11: {  	[smem:$0x3FB8] =	sst s9;
	s0 =	simm.s32 @!p0 $0x0  }
0x12: {  	s1 =	sld [smem:$0x3F9E];
	s0 =	simm.s32 @p0 $0x1  }
0x13: {  	[smem:$0x3FB9] =	sst s0;
	s0 =	simm.s32 @!p1 $0x0  }
0x14: {  	s2 =	sld [smem:$0x3F9D];
	s0 =	simm.s32 @p1 $0x1  }
0x15: {  	[smem:$0x3FBA] =	sst s0;
	s0 =	simm.s32 @!p2 $0x0  }
0x16: {  	s3 =	sld [smem:$0x3FDB];
	s0 =	simm.s32 @p2 $0x1  }
0x17: {  	s4 =	simm.s32 $0x1BF5;
	[smem:$0x3FBC] =	sst s0  }
0x18: {  	s0 =	sld [smem:$0x3F9F];
	_ =	swait.ge [sflag:s4], $0x0  }
0x19: {  	s7 =	sld [smem:$0x3FA0]  }
0x1a: {  	s8 =	sadd.s32 $0xFFFFE003, lr  }
0x1b: {  	s9 =	sadd.s32 $0xFFFFFEF7, lr;
	s5 =	simm.s32 $0xFFFFFFFF;
	p2 =	slt.u32 s8, $0xFFFFF086  }
0x1c: {  	p1 =	slt.u32 s9, $0xF7A;
	s5 =	simm.s32 @!p2 $0x0  }
0x1d: {  	s5 =	simm.s32 @p1 $0x1;
	p0 =	seq.s32 s7, s2  }
0x1e: {  	s7 =	smul.u32 @!p0 $0xF7A, s2;
	p2 =	seq.s32 @!p0 s5, $0x0  }
0x1f: {  	s9 =	smul.u32 $0xF7A, s1;
	s8 =	simm.s32 @!p0 $0x1BF5;
	p2 =	por !p2, p0  }
0x20: {  	[sflag:s8] =	ssyncset.s32 @!p0 $0xFFFFF086;
	s6 =	sadd.s32 @!p0 s3, s7;
	s7 =	simm.s32 @!p0 $0x108  }
0x21: {  	s3 =	sadd.s32 s3, s9;
	s6 =	sadd.s32 @!p0 $0x88, s6;
	s7 =	simm.s32 @p2 $0x1082  }
0x22: {  	[simem:s7], [sflag:s8] =	dma.local @!p0 [hbm:s6], $0xF7A  }
0x23: {  	s9 =	sor.u32 $0xD0000000, s2;
	s6 =	simm.s32 $0x108;
	_ =	swait.ge @!p0 [sflag:s8], $0x0  }
0x24: {  	s3 =	sadd.s32 $0x88, s3;
	s6 =	simm.s32 @!p1 $0x1082;
	[sflag:s4] =	ssyncset.s32 $0xFFFFF086  }
0x25: {  	[simem:s6], [sflag:s4] =	dma.local [hbm:s3], $0xF7A  }
0x26: {  	[smem:$0x3FA0] =	sst s1;
	(tag) =	ssettag s2;
	_ =	strace s9  }
0x27: {  	s1 =	sld [smem:$0x3FB0]  }
0x28: {  	s2 =	sld [smem:$0x3FB1]  }
0x29: {  	s4 =	sld [smem:$0x3FB3]  }
0x2a: {  	p0 =	seq.s32 s5, $0x0;
	s5 =	sld [smem:$0x3FB4]  }
0x2b: {  	s6 =	sld [smem:$0x3FB5]  }
0x2c: {  	s7 =	sld [smem:$0x3FB6]  }
0x2d: {  	s3 =	simm.s32 $0x108;
	s8 =	sld [smem:$0x3FB7]  }
0x2e: {  	s3 =	simm.s32 @!p0 $0x1082;
	s9 =	sld [smem:$0x3FB8]  }
0x2f: {  	lr =	sadd.s32 s0, s3;
	s0 =	sld [smem:$0x3FAF]  }
0x30: {  	s3 =	sld [smem:$0x3FB2]  }
0x31: {  	[smem:$0x3FBB] =	sst s10  }
0x32: {  	s10 =	sld [smem:$0x3FB9];
	_ =	sdelay $0x3  }
0x33: {  	p0 =	seq.s32 s10, $0x1;
	s10 =	sld [smem:$0x3FBB];
	_ =	sdelay $0x3  }
0x34: {  	[smem:$0x3FBB] =	sst s10  }
0x35: {  	s10 =	sld [smem:$0x3FBA];
	_ =	sdelay $0x3  }
0x36: {  	p1 =	seq.s32 s10, $0x1;
	s10 =	sld [smem:$0x3FBB];
	_ =	sdelay $0x3  }
0x37: {  	[smem:$0x3FBB] =	sst s10  }
0x38: {  	s10 =	sld [smem:$0x3FBC]  }
0x39: {  	_ = 	snop;
	(pc) =	sbr.ind lr, $3  }
0x3a: {  	_ = 	snop  }
0x3b: {  	_ = 	snop  }
0x3c: {  	p2 =	seq.s32 s10, $0x1;
	s10 =	sld [smem:$0x3FBB]  }
0x3d: {  	_ =	shalt  }
0x3e: {  	_ =	shalt  }
0x3f: {  	_ =	shalt  }
0x40: {  	_ =	shalt  }
0x41: {  	_ =	shalt  }
0x42: {  	_ =	shalt  }
0x43: {  	_ =	shalt  }
0x44: {  	_ =	shalt  }
0x45: {  	_ =	shalt  }
0x46: {  	_ =	shalt  }
0x47: {  	_ =	shalt  }
0x48: {  	_ =	shalt  }
0x49: {  	_ =	shalt  }
0x4a: {  	_ =	shalt  }
0x4b: {  	_ =	shalt  }
0x4c: {  	_ =	shalt  }
0x4d: {  	_ =	shalt  }
0x4e: {  	_ =	shalt  }
0x4f: {  	_ =	shalt  }
0x50: {  	_ =	shalt  }
0x51: {  	_ =	shalt  }
0x52: {  	_ =	shalt  }
0x53: {  	_ =	shalt  }
0x54: {  	_ =	shalt  }
0x55: {  	_ =	shalt  }
0x56: {  	_ =	shalt  }
0x57: {  	_ =	shalt  }
0x58: {  	_ =	shalt  }
0x59: {  	_ =	shalt  }
0x5a: {  	_ =	shalt  }
0x5b: {  	_ =	shalt  }
0x5c: {  	_ =	shalt  }
0x5d: {  	_ =	shalt  }
0x5e: {  	_ =	shalt  }
0x5f: {  	_ =	shalt  }
0x60: {  	_ =	shalt  }
0x61: {  	_ =	shalt  }
0x62: {  	_ =	shalt  }
0x63: {  	_ =	shalt  }
0x64: {  	_ =	shalt  }
0x65: {  	_ =	shalt  }
0x66: {  	_ =	shalt  }
0x67: {  	_ =	shalt  }
0x68: {  	_ =	shalt  }
0x69: {  	_ =	shalt  }
0x6a: {  	_ =	shalt  }
0x6b: {  	_ =	shalt  }
0x6c: {  	_ =	shalt  }
0x6d: {  	_ =	shalt  }
0x6e: {  	_ =	shalt  }
0x6f: {  	_ =	shalt  }
0x70: {  	_ =	shalt  }
0x71: {  	_ =	shalt  }
0x72: {  	_ =	shalt  }
0x73: {  	_ =	shalt  }
0x74: {  	_ =	shalt  }
0x75: {  	_ =	shalt  }
0x76: {  	_ =	shalt  }
0x77: {  	_ =	shalt  }
0x78: {  	_ =	shalt  }
0x79: {  	_ =	shalt  }
0x7a: {  	_ =	shalt  }
0x7b: {  	_ =	shalt  }
0x7c: {  	_ =	shalt  }
0x7d: {  	_ =	shalt  }
0x7e: {  	_ =	shalt  }
0x7f: {  	_ =	shalt  }
0x80: {  	_ =	shalt  }
0x81: {  	_ =	shalt  }
0x82: {  	_ =	shalt  }
0x83: {  	_ =	shalt  }
0x84: {  	_ =	shalt  }
0x85: {  	_ =	shalt  }
0x86: {  	_ =	shalt  }
0x87: {  	_ =	shalt  }
.Lfunc_end0:
.L_simem_size_0:
called_computation_lowered:
.L_overlay_start_0:
0x88: {  	s2 =	sld [smem:$0x3FD9]  }
0x89: {  	s3 =	sld [smem:$0x3FFE];
	_ =	sdelay $0x1  }
0x8a: {  	s1 =	srdreg.scid  }
0x8b: {  	s0 =	sand.u32 $0x1, s1  }
0x8c: {  	s18 =	sshll.u32 s0, $0xA;
	s2 =	sadd.s32 s3, s2  }
0x8d: {  	s2 =	sadd.s32 s2, s18  }
0x8e: {  	[smem:$0x3FC7] =	sst s2  }
0x8f: {  	_ = 	snop  }
0x90: {  	s2 =	sld [smem:$0x3FC9]  }
0x91: {  	s19 =	sld [smem:$0x3FD0];
	(tm) =	ssettm $0x1  }
0x92: {  	s4 =	sld [smem:$0x3FFB];
	_ =	sdelay $0x3  }
0x93: {  	_ =	strace s4  }
0x94: {  	s4 =	sld [smem:$0x3FFC];
	_ =	sdelay $0x3  }
0x95: {  	_ =	strace s4  }
0x96: {  	s4 =	sld [smem:$0x3FFD];
	_ =	sdelay $0x3  }
0x97: {  	_ =	strace s4  }
0x98: {  	_ =	strace $0x8FFFFFFF  }
0x99: {  	s20 =	sld [smem:$0x3FDB];
	_ =	sdelay $0x1  }
0x9a: {  	s5 =	simm.s32 $_scs_section_size  }
0x9b: {  	s6 =	simm.s32 $_size__tile_overlayer_lowered;
	s7 =	simm.s32 $_tile_overlayer_lowered  }
0x9c: {  	s23 =	simm.s32 $0x1BFF;
	s22 =	sshll.u32 s7, $0x1;
	s4 =	sadd.s32 s5, s20  }
0x9d: {  	s8 =	simm.s32 $0x0;
	s21 =	sshll.u32 s6, $0x1;
	s6 =	sadd.s32 s22, s4  }
0x9e: {  	[timem:s8], [sflag:s23] =	dma.local [hbm:s6], s21  }
0x9f: {  	_ =	swait.ge [sflag:s23], s21  }
0xa0: {  	s5 =	ssub.s32 $0x0, s21;
	[sflag:s23] =	ssyncset.done $0x0  }
0xa1: {  	[sflag:s23] =	ssyncadd.s32 s5;
	_ =	sdelay $0x1  }
0xa2: {  	s24 =	simm.s32 $0x1B8B  }
0xa3: {  	_ =	swait.ge [sflag:s24], $0x1  }
0xa4: {  	[sflag:s24] =	ssyncset.done $0x0  }
0xa5: {  	s25 =	simm.s32 $0x1B8E;
	[sflag:s24] =	ssyncadd.s32 $0xFFFFFFFF  }
0xa6: {  	s26 =	simm.s32 $execute0_lowered;
	[smem:$0x3FD2] =	sst s25  }
0xa7: {  	s5 =	sshll.u32 s26, $0x1;
	_ =	strace $0x80000046;
	[dreg:$0x1] =	wrdreg $0xFFFFFFFF  }
0xa8: {  	s28 =	simm.s32 $_size_execute0_lowered;
	s4 =	sadd.s32 s4, s5;
	[dreg:$0x0] =	wrdreg $0x0  }
0xa9: {  	s5 =	sshll.u32 s28, $0x1;
	[dreg:$0x2] =	wrdreg s4  }
0xaa: {  	[dreg:$0x3] =	wrdreg s5  }
0xab: {  	[dreg:$0x4] =	wrdreg $0xC0  }
0xac: {  	_ =	task [dreg:s8], $0x5FFFF  }
0xad: {  	[dreg:$0x1] =	wrdreg $0xFFFFFFFF  }
0xae: {  	[dreg:$0x0] =	wrdreg $0x60  }
0xaf: {  	[dreg:$0x2] =	wrdreg s2  }
0xb0: {  	[dreg:$0x3] =	wrdreg s19  }
0xb1: {  	[dreg:$0x4] =	wrdreg $0x9  }
0xb2: {  	_ =	task.clear_ibuf [dreg:s8], $0x5FFFF;
	_ =	strace $0x90000046  }
0xb3: {  	s29 =	simm.s32 $0x9;
	_ =	strace $0x80000048  }
0xb4: {  	_ =	swait.ge [sflag:s29], $0x1  }
0xb5: {  	[sflag:s29] =	ssyncadd.s32 $0xFFFFFFFF  }
0xb6: {  	_ =	strace $0x90000048  }
0xb7: {  	_ =	sfence  }
0xb8: {  	s30 =	sld [smem:$0x0];
	_ =	sdelay $0x2  }
0xb9: {  	s31 =	sshll.u32 s1, $0xD;
	s1 =	sshrl.u32 s1, $0x2  }
0xba: {  	s3 =	sand.u32 $0x4000, s31;
	s1 =	sadd.s32 s1, s30  }
0xbb: {  	s0 =	sor.u32 s3, s0;
	s1 =	sshll.u32 s1, $0x11  }
0xbc: {  	s0 =	sor.u32 s1, s0  }
0xbd: {  	s0 =	sadd.s32 $0x8F2B, s0  }
0xbe: {  	[sflag:s0] =	ssyncadd.remote.s32 $0x1  }
0xbf: {  	_ =	sfence.sel $0xFFFF  }
0xc0: {  	[dreg:$0x0] =	wrdreg $0xFFFFFFFF;
	(pc) =	sbr.abs _section_cstart, $3  }
0xc1: {  	[dreg:$0x1] =	wrdreg $0xFFFFFFFF  }
0xc2: {  	_ =	task.clear_ibuf [dreg:s8], $0x2FFFF;
	_ =	strace $0x9FFFFFFF  }
0xc3: {  	(tm) =	ssettm $0x7FFFFFFF  }
tec
execute0_lowered:
.L_overlay_start_1:
0x0: {  	(tag) =	ssettag $0x1  }
0x1: {  	s2 =	rddreg [dreg:$0x0]  }
0x2: {  	s7 =	rddreg [dreg:$0x1];
	s3 =	srdreg.scid  }
0x3: {  	s0 =	rddreg [dreg:$0x2];
	s1 =	stileid.u32;
	s18 =	simm.s32 $0x0  }
0x4: {  	s4 =	sand.u32 $0x1, s3;
	s3 =	simm.s32 $0x0;
	s5 =	sshll.u32 s1, $0x6  }
0x5: {  	s13 =	sadd.s32 $0x400, s7;
	s6 =	sshll.u32 s4, $0x5;
	s4 =	ssub.s32 $0x2, s4  }
0x6: {  	[smem:$0x7FF] =	sst s3;
	s15 =	sor.u32 s6, s5;
	s31 =	sshrl.u32 s4, $0x1  }
0x7: {  	_ =	strace $0x80000047;
	s6 =	smax.u32 s15, $0x3C8;
	s12 =	ssub.s32 s4, s31  }
0x8: {  	s8 =	sshll.u32 s15, $0xB;
	s14 =	sor.u32 $0x10, s15;
	s17 =	sor.u32 $0x18, s15  }
0x9: {  	p0 =	seq.s32 s15, $0x3E0;
	v0 =	vmov s15;
	s15 =	simm.s32 $0xC000;
	s16 =	sxor.u32 $0x3E8, s6  }
0xa: {  	s4 =	sadd.s32 s7, s8;
	s9 =	sor.u32 $0x4000, s8;
	s10 =	sshll.u32 s14, $0xB  }
0xb: {  	s11 =	sshll.u32 s17, $0xB;
	s8 =	sadd.s32 s8, s13;
	s12 =	smax.u32 s12, $0x1  }
0xc: {  	p1 =	sgt.u32 @!p0 s14, $0x3E7;
	s14 =	simm.s32 $0x4000;
	p3 =	sgt.u32 @!p0 s17, $0x3E7  }
0xd: {  	s17 =	simm.s32 $0x2;
	s5 =	sadd.s32 s7, s9;
	s6 =	sadd.s32 s7, s10  }
0xe: {  	s7 =	sadd.s32 s7, s11;
	s9 =	sadd.s32 s9, s13;
	s10 =	sadd.s32 s10, s13  }
0xf: {  	v2 =	vimm.f32 $0.0e+00;
	s11 =	sadd.s32 s11, s13;
	s13 =	simm.s32 $0x3;
	p1 =	por p1, p0  }
0x10: {  	v3 =	vlaneseq.u32;
	v4 =	vimm.f32 $1.000000000e+00;
	v1 =	vmov s16;
	p2 =	por p3, p0;
	s16 =	simm.s32 $0x1;
	p3 =	por p0, !p3  }
.LBB2_1:
0x11: {  	[tilespmem:s3], [sflag:$0x3] =	stream.linear.gather [hbm4b:s2+s3], $0x4000, $0x38;
	[tilespmem:$0x14000] =	vst v63  }
0x12: {  	s19 =	simm.s32 $0xFFFF8000  }
0x13: {  	s20 =	simm.s32 $0x0;
	s21 =	simm.s32 $0x0;
	s22 =	simm.s32 $0x0  }
.LBB2_2:
0x14: {  	s23 =	sadd.s32 $0x8000, s19  }
0x15: {  	s24 =	sand.u32 $0x380, s22;
	s23 =	sand.u32 $0x6000, s23  }
0x16: {  	s23 =	sor.u32 s24, s23  }
0x17: {  	[tilespmem:s23+$0x4000] =	vst v2  }
0x18: {  	[tilespmem:s23+$0x4010] =	vst v2  }
0x19: {  	[tilespmem:s23+$0x4020] =	vst v2  }
0x1a: {  	[tilespmem:s23+$0x4030] =	vst v2  }
0x1b: {  	[tilespmem:s23+$0x4040] =	vst v2  }
0x1c: {  	[tilespmem:s23+$0x4050] =	vst v2  }
0x1d: {  	[tilespmem:s23+$0x4060] =	vst v2  }
0x1e: {  	[tilespmem:s23+$0x4070] =	vst v2  }
0x1f: {  	[tilespmem:s23+$0x4400] =	vst v2  }
0x20: {  	[tilespmem:s23+$0x4410] =	vst v2  }
0x21: {  	[tilespmem:s23+$0x4420] =	vst v2  }
0x22: {  	[tilespmem:s23+$0x4430] =	vst v2  }
0x23: {  	[tilespmem:s23+$0x4440] =	vst v2  }
0x24: {  	[tilespmem:s23+$0x4450] =	vst v2  }
0x25: {  	[tilespmem:s23+$0x4460] =	vst v2  }
0x26: {  	[tilespmem:s23+$0x4470] =	vst v2  }
0x27: {  	[tilespmem:s23+$0x4800] =	vst v2  }
0x28: {  	[tilespmem:s23+$0x4810] =	vst v2  }
0x29: {  	[tilespmem:s23+$0x4820] =	vst v2  }
0x2a: {  	[tilespmem:s23+$0x4830] =	vst v2  }
0x2b: {  	[tilespmem:s23+$0x4840] =	vst v2  }
0x2c: {  	[tilespmem:s23+$0x4850] =	vst v2  }
0x2d: {  	[tilespmem:s23+$0x4860] =	vst v2  }
0x2e: {  	[tilespmem:s23+$0x4870] =	vst v2  }
0x2f: {  	[tilespmem:s23+$0x4C00] =	vst v2  }
0x30: {  	[tilespmem:s23+$0x4C10] =	vst v2  }
0x31: {  	[tilespmem:s23+$0x4C20] =	vst v2  }
0x32: {  	[tilespmem:s23+$0x4C30] =	vst v2  }
0x33: {  	[tilespmem:s23+$0x4C40] =	vst v2  }
0x34: {  	[tilespmem:s23+$0x4C50] =	vst v2  }
0x35: {  	[tilespmem:s23+$0x4C60] =	vst v2  }
0x36: {  	[tilespmem:s23+$0x4C70] =	vst v2  }
0x37: {  	[tilespmem:s23+$0x5000] =	vst v2  }
0x38: {  	[tilespmem:s23+$0x5010] =	vst v2  }
0x39: {  	[tilespmem:s23+$0x5020] =	vst v2  }
0x3a: {  	[tilespmem:s23+$0x5030] =	vst v2  }
0x3b: {  	[tilespmem:s23+$0x5040] =	vst v2  }
0x3c: {  	[tilespmem:s23+$0x5050] =	vst v2  }
0x3d: {  	[tilespmem:s23+$0x5060] =	vst v2  }
0x3e: {  	[tilespmem:s23+$0x5070] =	vst v2  }
0x3f: {  	[tilespmem:s23+$0x5400] =	vst v2  }
0x40: {  	[tilespmem:s23+$0x5410] =	vst v2  }
0x41: {  	[tilespmem:s23+$0x5420] =	vst v2  }
0x42: {  	[tilespmem:s23+$0x5430] =	vst v2  }
0x43: {  	[tilespmem:s23+$0x5440] =	vst v2  }
0x44: {  	[tilespmem:s23+$0x5450] =	vst v2  }
0x45: {  	[tilespmem:s23+$0x5460] =	vst v2  }
0x46: {  	[tilespmem:s23+$0x5470] =	vst v2  }
0x47: {  	[tilespmem:s23+$0x5800] =	vst v2  }
0x48: {  	[tilespmem:s23+$0x5810] =	vst v2  }
0x49: {  	[tilespmem:s23+$0x5820] =	vst v2  }
0x4a: {  	[tilespmem:s23+$0x5830] =	vst v2  }
0x4b: {  	s29 =	sand.u32 $0x7, s20;
	[tilespmem:s23+$0x5840] =	vst v2  }
0x4c: {  	s24 =	sshll.u32 s29, $0x7;
	[tilespmem:s23+$0x5850] =	vst v2  }
0x4d: {  	s24 =	sadd.s32 s24, s21;
	[tilespmem:s23+$0x5860] =	vst v2  }
0x4e: {  	[tilespmem:s23+$0x5870] =	vst v2;
	s30 =	sor.u32 $0x1C00, s24  }
0x4f: {  	s31 =	sor.u32 $0x1C10, s24;
	[tilespmem:s30+$0x4000] =	vst v2  }
0x50: {  	s25 =	sor.u32 $0x1C20, s24;
	[tilespmem:s31+$0x4000] =	vst v2  }
0x51: {  	p4 =	sne.s32 s22, $0xF80;
	s26 =	sor.u32 $0x1C30, s24;
	[tilespmem:s25+$0x4000] =	vst v2  }
.Ltmp0:
0x52: {  	s28 =	sor.u32 $0x1C40, s24;
	[tilespmem:s26+$0x4000] =	vst v2;
	(pc) =	sbr.rel @p4 .LBB2_2-.Ltmp0, $4  }
0x53: {  	s29 =	sor.u32 $0x1C50, s24;
	[tilespmem:s28+$0x4000] =	vst v2  }
0x54: {  	s30 =	sor.u32 $0x1C60, s24;
	[tilespmem:s29+$0x4000] =	vst v2  }
0x55: {  	s20 =	sadd.s32 $0x1, s20;
	s31 =	sor.u32 $0x1C70, s24;
	[tilespmem:s30+$0x4000] =	vst v2  }
0x56: {  	s19 =	sadd.s32 $0x400, s19;
	s22 =	sadd.s32 $0x80, s22;
	s21 =	sadd.s32 $0x400, s21;
	[tilespmem:s31+$0x4000] =	vst v2  }
0x57: {  	_ =	swait.ge [sflag:s13], $0x4000  }
0x58: {  	[sflag:s13] =	ssyncset.done $0x0  }
0x59: {  	s19 =	simm.s32 $0x0;
	[sflag:s13] =	ssyncadd.s32 $0xFFFFC000  }
0x5a: {  	s20 =	simm.s32 $0x10;
	s21 =	simm.s32 $0x0;
	v5 =	vld [tilespmem:s19+$0x0]  }
.LBB2_4:
0x5b: {  	p4 =	sne.s32 s20, $0x3F0;
	_ =	sdelay $0x1  }
0x5c: {  	v6 =	vmov s19;
	v7 =	vor.u32 s19, v3;
	s19 =	smov.u32 s20  }
0x5d: {  	v7 =	vand.u32 $0x7F, v7;
	v6 =	vshll.u32 v6, $0x3  }
0x5e: {  	v6 =	vand.u32 $0x1C00, v6;
	v8 =	vsub.s32 v5, v0;
	v5 =	vshll.u32 v5, $0x7  }
0x5f: {  	v6 =	vor.u32 v6, v7;
	v9 =	vshll.u32 v8, $0xA;
	v5 =	vand.u32 $0x380, v5  }
0x60: {  	vm0 =	vlt.u32 v8, v1;
	v7 =	vand.u32 $0xFFFFE000, v9;
	v5 =	vor.u32 v5, v6  }
0x61: {  	v5 =	vor.u32 v7, v5;
	_ =	sdelay $0x1  }
.Ltmp1:
0x62: {  	(pc) =	sbr.rel @p4 .LBB2_4-.Ltmp1, $3  }
0x63: {  	_ =	sdelay $0x1  }
0x64: {  	s21 =	sadd.s32 $0x10, s21;
	[tilespmem:v5+s14+$0x0] =	vst.idx.msk vm0, v4  }
0x65: {  	s20 =	sadd.s32 $0x10, s20;
	v5 =	vld [tilespmem:s21+$0x0]  }
0x66: {  	_ =	sdelay $0x1  }
0x67: {  	v6 =	vmov s19;
	v7 =	vor.u32 s19, v3  }
0x68: {  	v7 =	vand.u32 $0x7F, v7;
	v6 =	vshll.u32 v6, $0x3  }
0x69: {  	v6 =	vand.u32 $0x1C00, v6;
	v8 =	vsub.s32 v5, v0;
	v5 =	vshll.u32 v5, $0x7  }
0x6a: {  	v6 =	vor.u32 v6, v7;
	v9 =	vshll.u32 v8, $0xA;
	v5 =	vand.u32 $0x380, v5  }
0x6b: {  	vm0 =	vlt.u32 v8, v1;
	v7 =	vand.u32 $0xFFFFE000, v9;
	v5 =	vor.u32 v5, v6  }
0x6c: {  	v5 =	vor.u32 v7, v5;
	_ =	sdelay $0x4  }
0x6d: {  	[tilespmem:v5+s14+$0x0] =	vst.idx.msk vm0, v4  }
0x6e: {  	[hbm4b:s4+s3] =	stream.linear.scatter [tilespmem:s14], [sflag:$0x1], $0x2000, $0x38;
	[tilespmem:$0x14000] =	vst v63  }
0x6f: {  	s19 =	simm.s32 @!p0 $0x0;
	s20 =	simm.s32 @!p0 $0x6000  }
0x70: {  	[hbm4b:s5+s19] =	stream.linear.scatter @!p0 [tilespmem:s20], [sflag:$0x1], $0x2000, $0x38;
	[tilespmem:$0x14000] =	vst v63  }
0x71: {  	s21 =	simm.s32 $0x0;
	s19 =	simm.s32 @!p1 $0x0;
	s20 =	simm.s32 @!p1 $0x8000  }
0x72: {  	[hbm4b:s6+s19] =	stream.linear.scatter @!p1 [tilespmem:s20], [sflag:$0x1], $0x2000, $0x38;
	[tilespmem:$0x14000] =	vst v63  }
0x73: {  	s22 =	simm.s32 $0x0;
	s19 =	simm.s32 @!p2 $0x0;
	s20 =	simm.s32 @!p2 $0xA000  }
0x74: {  	[hbm4b:s7+s19] =	stream.linear.scatter @!p2 [tilespmem:s20], [sflag:$0x1], $0x2000, $0x38;
	[tilespmem:$0x14000] =	vst v63  }
0x75: {  	s23 =	simm.s32 $0x0;
	s19 =	simm.s32 $0x0;
	s20 =	simm.s32 $0xFFFF8000  }
.LBB2_6:
0x76: {  	s24 =	sadd.s32 $0x8000, s20  }
0x77: {  	s25 =	sand.u32 $0x380, s23;
	s24 =	sand.u32 $0x6000, s24  }
0x78: {  	s24 =	sor.u32 s25, s24  }
0x79: {  	[tilespmem:s24+$0xC000] =	vst v2  }
0x7a: {  	[tilespmem:s24+$0xC010] =	vst v2  }
0x7b: {  	[tilespmem:s24+$0xC020] =	vst v2  }
0x7c: {  	[tilespmem:s24+$0xC030] =	vst v2  }
0x7d: {  	[tilespmem:s24+$0xC040] =	vst v2  }
0x7e: {  	[tilespmem:s24+$0xC050] =	vst v2  }
0x7f: {  	[tilespmem:s24+$0xC060] =	vst v2  }
0x80: {  	[tilespmem:s24+$0xC070] =	vst v2  }
0x81: {  	[tilespmem:s24+$0xC400] =	vst v2  }
0x82: {  	[tilespmem:s24+$0xC410] =	vst v2  }
0x83: {  	[tilespmem:s24+$0xC420] =	vst v2  }
0x84: {  	[tilespmem:s24+$0xC430] =	vst v2  }
0x85: {  	[tilespmem:s24+$0xC440] =	vst v2  }
0x86: {  	[tilespmem:s24+$0xC450] =	vst v2  }
0x87: {  	[tilespmem:s24+$0xC460] =	vst v2  }
0x88: {  	[tilespmem:s24+$0xC470] =	vst v2  }
0x89: {  	[tilespmem:s24+$0xC800] =	vst v2  }
0x8a: {  	[tilespmem:s24+$0xC810] =	vst v2  }
0x8b: {  	[tilespmem:s24+$0xC820] =	vst v2  }
0x8c: {  	[tilespmem:s24+$0xC830] =	vst v2  }
0x8d: {  	[tilespmem:s24+$0xC840] =	vst v2  }
0x8e: {  	[tilespmem:s24+$0xC850] =	vst v2  }
0x8f: {  	[tilespmem:s24+$0xC860] =	vst v2  }
0x90: {  	[tilespmem:s24+$0xC870] =	vst v2  }
0x91: {  	[tilespmem:s24+$0xCC00] =	vst v2  }
0x92: {  	[tilespmem:s24+$0xCC10] =	vst v2  }
0x93: {  	[tilespmem:s24+$0xCC20] =	vst v2  }
0x94: {  	[tilespmem:s24+$0xCC30] =	vst v2  }
0x95: {  	[tilespmem:s24+$0xCC40] =	vst v2  }
0x96: {  	[tilespmem:s24+$0xCC50] =	vst v2  }
0x97: {  	[tilespmem:s24+$0xCC60] =	vst v2  }
0x98: {  	[tilespmem:s24+$0xCC70] =	vst v2  }
0x99: {  	[tilespmem:s24+$0xD000] =	vst v2  }
0x9a: {  	[tilespmem:s24+$0xD010] =	vst v2  }
0x9b: {  	[tilespmem:s24+$0xD020] =	vst v2  }
0x9c: {  	[tilespmem:s24+$0xD030] =	vst v2  }
0x9d: {  	[tilespmem:s24+$0xD040] =	vst v2  }
0x9e: {  	[tilespmem:s24+$0xD050] =	vst v2  }
0x9f: {  	[tilespmem:s24+$0xD060] =	vst v2  }
0xa0: {  	[tilespmem:s24+$0xD070] =	vst v2  }
0xa1: {  	[tilespmem:s24+$0xD400] =	vst v2  }
0xa2: {  	[tilespmem:s24+$0xD410] =	vst v2  }
0xa3: {  	[tilespmem:s24+$0xD420] =	vst v2  }
0xa4: {  	[tilespmem:s24+$0xD430] =	vst v2  }
0xa5: {  	[tilespmem:s24+$0xD440] =	vst v2  }
0xa6: {  	[tilespmem:s24+$0xD450] =	vst v2  }
0xa7: {  	[tilespmem:s24+$0xD460] =	vst v2  }
0xa8: {  	[tilespmem:s24+$0xD470] =	vst v2  }
0xa9: {  	[tilespmem:s24+$0xD800] =	vst v2  }
0xaa: {  	[tilespmem:s24+$0xD810] =	vst v2  }
0xab: {  	[tilespmem:s24+$0xD820] =	vst v2  }
0xac: {  	[tilespmem:s24+$0xD830] =	vst v2  }
0xad: {  	s28 =	sand.u32 $0x7, s21;
	[tilespmem:s24+$0xD840] =	vst v2  }
0xae: {  	s25 =	sshll.u32 s28, $0x7;
	[tilespmem:s24+$0xD850] =	vst v2  }
0xaf: {  	s25 =	sadd.s32 s25, s22;
	[tilespmem:s24+$0xD860] =	vst v2  }
0xb0: {  	[tilespmem:s24+$0xD870] =	vst v2;
	s29 =	sor.u32 $0x1C00, s25  }
0xb1: {  	s30 =	sor.u32 $0x1C10, s25;
	[tilespmem:s29+$0xC000] =	vst v2  }
0xb2: {  	s31 =	sor.u32 $0x1C20, s25;
	[tilespmem:s30+$0xC000] =	vst v2  }
0xb3: {  	p4 =	sne.s32 s23, $0xF80;
	s26 =	sor.u32 $0x1C30, s25;
	[tilespmem:s31+$0xC000] =	vst v2  }
.Ltmp2:
0xb4: {  	s28 =	sor.u32 $0x1C40, s25;
	[tilespmem:s26+$0xC000] =	vst v2;
	(pc) =	sbr.rel @p4 .LBB2_6-.Ltmp2, $4  }
0xb5: {  	s29 =	sor.u32 $0x1C50, s25;
	[tilespmem:s28+$0xC000] =	vst v2  }
0xb6: {  	s30 =	sor.u32 $0x1C60, s25;
	[tilespmem:s29+$0xC000] =	vst v2  }
0xb7: {  	s21 =	sadd.s32 $0x1, s21;
	s31 =	sor.u32 $0x1C70, s25;
	[tilespmem:s30+$0xC000] =	vst v2  }
0xb8: {  	s20 =	sadd.s32 $0x400, s20;
	s23 =	sadd.s32 $0x80, s23;
	s22 =	sadd.s32 $0x400, s22;
	[tilespmem:s31+$0xC000] =	vst v2  }
0xb9: {  	s21 =	sand.u32 $0x3F0, s19;
	s20 =	simm.s32 $0x10  }
.LBB2_8:
0xba: {  	p4 =	sne.s32 s20, $0x3F0;
	v5 =	vld [tilespmem:s21+$0x400];
	_ =	sdelay $0x2  }
0xbb: {  	v6 =	vmov s19;
	v7 =	vor.u32 s19, v3;
	s19 =	smov.u32 s20  }
0xbc: {  	v7 =	vand.u32 $0x7F, v7;
	v6 =	vshll.u32 v6, $0x3  }
0xbd: {  	v6 =	vand.u32 $0x1C00, v6;
	v8 =	vsub.s32 v5, v0;
	v5 =	vshll.u32 v5, $0x7  }
0xbe: {  	v6 =	vor.u32 v6, v7;
	v9 =	vshll.u32 v8, $0xA;
	v5 =	vand.u32 $0x380, v5  }
0xbf: {  	vm0 =	vlt.u32 v8, v1;
	v7 =	vand.u32 $0xFFFFE000, v9;
	v5 =	vor.u32 v5, v6  }
0xc0: {  	v5 =	vor.u32 v7, v5  }
.Ltmp3:
0xc1: {  	(pc) =	sbr.rel @p4 .LBB2_8-.Ltmp3, $2  }
0xc2: {  	_ =	sdelay $0x2  }
0xc3: {  	s20 =	sadd.s32 $0x10, s20;
	s21 =	sand.u32 $0x3F0, s19;
	[tilespmem:v5+s15+$0x0] =	vst.idx.msk vm0, v4  }
0xc4: {  	v5 =	vld [tilespmem:s21+$0x400];
	_ =	sdelay $0x2  }
0xc5: {  	v6 =	vmov s19;
	v7 =	vor.u32 s19, v3  }
0xc6: {  	v7 =	vand.u32 $0x7F, v7;
	v6 =	vshll.u32 v6, $0x3  }
0xc7: {  	v6 =	vand.u32 $0x1C00, v6;
	v8 =	vsub.s32 v5, v0;
	v5 =	vshll.u32 v5, $0x7  }
0xc8: {  	v6 =	vor.u32 v6, v7;
	v9 =	vshll.u32 v8, $0xA;
	v5 =	vand.u32 $0x380, v5  }
0xc9: {  	vm0 =	vlt.u32 v8, v1;
	v7 =	vand.u32 $0xFFFFE000, v9;
	v5 =	vor.u32 v5, v6  }
0xca: {  	v5 =	vor.u32 v7, v5;
	_ =	sdelay $0x4  }
0xcb: {  	[tilespmem:v5+s15+$0x0] =	vst.idx.msk vm0, v4  }
0xcc: {  	[hbm4b:s8+s3] =	stream.linear.scatter [tilespmem:s15], [sflag:$0x2], $0x2000, $0x38;
	[tilespmem:$0x14000] =	vst v63  }
0xcd: {  	s19 =	simm.s32 @!p0 $0x0;
	s20 =	simm.s32 @!p0 $0xE000  }
0xce: {  	[hbm4b:s9+s19] =	stream.linear.scatter @!p0 [tilespmem:s20], [sflag:$0x2], $0x2000, $0x38;
	[tilespmem:$0x14000] =	vst v63  }
0xcf: {  	s19 =	simm.s32 @!p1 $0x0;
	s20 =	simm.s32 @!p1 $0x10000  }
0xd0: {  	[hbm4b:s10+s19] =	stream.linear.scatter @!p1 [tilespmem:s20], [sflag:$0x2], $0x2000, $0x38;
	[tilespmem:$0x14000] =	vst v63  }
0xd1: {  	s19 =	simm.s32 @!p2 $0x0;
	s20 =	simm.s32 @!p2 $0x12000  }
0xd2: {  	[hbm4b:s11+s19] =	stream.linear.scatter @!p2 [tilespmem:s20], [sflag:$0x2], $0x2000, $0x38;
	[tilespmem:$0x14000] =	vst v63  }
0xd3: {  	s19 =	simm.s32 $0x0;
	s20 =	simm.s32 $0x0  }
.LBB2_10:
0xd4: {  	_ =	swait.ge [sflag:s16], $0x2000  }
0xd5: {  	[sflag:s16] =	ssyncset.done $0x0  }
0xd6: {  	s21 =	simm.s32 @!p0 $0x1;
	[sflag:s16] =	ssyncadd.s32 $0xFFFFE000  }
0xd7: {  	_ =	swait.ge @!p0 [sflag:s21], $0x2000  }
0xd8: {  	[sflag:s21] =	ssyncset.done @!p0 $0x0  }
0xd9: {  	[sflag:s21] =	ssyncadd.s32 @!p0 $0xFFFFE000;
	s21 =	simm.s32 @!p1 $0x1  }
0xda: {  	_ =	swait.ge @!p1 [sflag:s21], $0x2000  }
0xdb: {  	[sflag:s21] =	ssyncset.done @!p1 $0x0  }
0xdc: {  	s22 =	simm.s32 @!p2 $0x1;
	[sflag:s21] =	ssyncadd.s32 @!p1 $0xFFFFE000  }
0xdd: {  	_ =	swait.ge @!p2 [sflag:s22], $0x2000  }
0xde: {  	s24 =	sshll.u32 s20, $0xB;
	[sflag:s22] =	ssyncset.done @!p2 $0x0  }
0xdf: {  	s31 =	sand.u32 $0x380, s19;
	[sflag:s22] =	ssyncadd.s32 @!p2 $0xFFFFE000;
	s22 =	sand.u32 $0x3FFFF800, s24  }
0xe0: {  	s25 =	sand.u32 $0x70, s19;
	s24 =	sadd.s32 s31, s22  }
0xe1: {  	s24 =	sadd.s32 s25, s24  }
0xe2: {  	v5 =	vld [tilespmem:s24+$0x0];
	_ =	sdelay $0x2  }
0xe3: {  	v6 =	vmov s19;
	v7 =	vor.u32 s19, v3  }
0xe4: {  	v7 =	vand.u32 $0x7F, v7;
	v6 =	vshll.u32 v6, $0x3  }
0xe5: {  	v6 =	vand.u32 $0x1C00, v6;
	v8 =	vsub.s32 v5, v0;
	v5 =	vshll.u32 v5, $0x7  }
0xe6: {  	v6 =	vor.u32 v6, v7;
	v9 =	vshll.u32 v8, $0xA;
	v5 =	vand.u32 $0x380, v5  }
0xe7: {  	vm0 =	vlt.u32 v8, v1;
	v7 =	vand.u32 $0xFFFFE000, v9;
	v5 =	vor.u32 v5, v6  }
0xe8: {  	v5 =	vor.u32 v7, v5;
	_ =	sdelay $0x1  }
0xe9: {  	s21 =	sshll.u32 s20, $0x1;
	s24 =	simm.s32 $0x10  }
0xea: {  	s23 =	sadd.s32 $0x2, s21;
	s25 =	simm.s32 $0x20;
	s26 =	sand.u32 $0x380, s24  }
.LBB2_11:
0xeb: {  	p4 =	seq.s32 s25, $0x3F0;
	s28 =	sand.u32 $0x70, s24;
	s26 =	sadd.s32 s26, s22  }
0xec: {  	s26 =	sadd.s32 s28, s26;
	[tilespmem:v5+s14+$0x0] =	vst.idx.msk vm0, v2  }
0xed: {  	v5 =	vld [tilespmem:s26+$0x0];
	_ =	sdelay $0x2  }
0xee: {  	v6 =	vmov s24;
	v7 =	vor.u32 s24, v3;
	s24 =	smov.u32 s25  }
0xef: {  	v7 =	vand.u32 $0x7F, v7;
	v6 =	vshll.u32 v6, $0x3  }
0xf0: {  	v6 =	vand.u32 $0x1C00, v6;
	v8 =	vsub.s32 v5, v0;
	v5 =	vshll.u32 v5, $0x7  }
0xf1: {  	v6 =	vor.u32 v6, v7;
	v9 =	vshll.u32 v8, $0xA;
	v5 =	vand.u32 $0x380, v5  }
.Ltmp4:
0xf2: {  	vm0 =	vlt.u32 v8, v1;
	v7 =	vand.u32 $0xFFFFE000, v9;
	v5 =	vor.u32 v5, v6;
	(pc) =	sbr.rel @!p4 .LBB2_11-.Ltmp4, $2  }
0xf3: {  	v5 =	vor.u32 v7, v5;
	_ =	sdelay $0x2  }
0xf4: {  	s25 =	sadd.s32 $0x10, s25;
	s26 =	sand.u32 $0x380, s24  }
0xf5: {  	_ =	sdelay $0x3  }
0xf6: {  	s25 =	sand.u32 $0x70, s24;
	s26 =	sadd.s32 s26, s22  }
0xf7: {  	[tilespmem:v5+s14+$0x0] =	vst.idx.msk vm0, v2;
	s25 =	sadd.s32 s25, s26  }
0xf8: {  	v5 =	vld [tilespmem:s25+$0x0];
	_ =	sdelay $0x2  }
0xf9: {  	v6 =	vmov s24;
	v7 =	vor.u32 s24, v3  }
0xfa: {  	v7 =	vand.u32 $0x7F, v7;
	v6 =	vshll.u32 v6, $0x3  }
0xfb: {  	v6 =	vand.u32 $0x1C00, v6;
	v8 =	vsub.s32 v5, v0;
	v5 =	vshll.u32 v5, $0x7  }
0xfc: {  	v6 =	vor.u32 v6, v7;
	v9 =	vshll.u32 v8, $0xA;
	v5 =	vand.u32 $0x380, v5  }
0xfd: {  	vm0 =	vlt.u32 v8, v1;
	v7 =	vand.u32 $0xFFFFE000, v9;
	v5 =	vor.u32 v5, v6  }
0xfe: {  	v5 =	vor.u32 v7, v5;
	_ =	sdelay $0x1  }
0xff: {  	s23 =	sshll.u32 s23, $0xA;
	s30 =	simm.s32 $0x0  }
0x100: {  	s24 =	sand.u32 $0x3FFFFC00, s23;
	s31 =	sand.u32 $0x380, s30  }
0x101: {  	s28 =	sand.u32 $0x70, s30;
	s26 =	sadd.s32 s31, s24  }
0x102: {  	s26 =	sadd.s32 s28, s26;
	[tilespmem:v5+s14+$0x0] =	vst.idx.msk vm0, v2  }
0x103: {  	v5 =	vld [tilespmem:s26+$0x0];
	_ =	sdelay $0x2  }
0x104: {  	v6 =	vmov s30;
	v7 =	vor.u32 s30, v3  }
0x105: {  	v6 =	vshll.u32 v6, $0x3;
	v7 =	vand.u32 $0x7F, v7  }
0x106: {  	v6 =	vand.u32 $0x1C00, v6;
	v62 =	vsub.s32 v5, v0;
	v5 =	vshll.u32 v5, $0x7  }
0x107: {  	v6 =	vor.u32 v6, v7;
	v63 =	vshll.u32 v62, $0xA;
	v5 =	vand.u32 $0x380, v5  }
0x108: {  	vm0 =	vlt.u32 v62, v1;
	v7 =	vand.u32 $0xFFFFE000, v63;
	v5 =	vor.u32 v5, v6  }
0x109: {  	v5 =	vor.u32 v7, v5;
	_ =	sdelay $0x1  }
0x10a: {  	s25 =	simm.s32 $0x10  }
0x10b: {  	s28 =	sand.u32 $0x380, s25;
	s26 =	simm.s32 $0x20  }
.LBB2_13:
0x10c: {  	p4 =	sne.s32 s26, $0x3F0;
	s29 =	sand.u32 $0x70, s25;
	s28 =	sadd.s32 s28, s24  }
0x10d: {  	s28 =	sadd.s32 s29, s28;
	[tilespmem:v5+s14+$0x0] =	vst.idx.msk vm0, v4  }
0x10e: {  	v5 =	vld [tilespmem:s28+$0x0];
	_ =	sdelay $0x2  }
0x10f: {  	v6 =	vmov s25;
	v7 =	vor.u32 s25, v3;
	s25 =	smov.u32 s26  }
0x110: {  	v7 =	vand.u32 $0x7F, v7;
	v6 =	vshll.u32 v6, $0x3  }
0x111: {  	v6 =	vand.u32 $0x1C00, v6;
	v8 =	vsub.s32 v5, v0;
	v5 =	vshll.u32 v5, $0x7  }
0x112: {  	v6 =	vor.u32 v6, v7;
	v9 =	vshll.u32 v8, $0xA;
	v5 =	vand.u32 $0x380, v5  }
.Ltmp5:
0x113: {  	vm0 =	vlt.u32 v8, v1;
	v7 =	vand.u32 $0xFFFFE000, v9;
	v5 =	vor.u32 v5, v6;
	(pc) =	sbr.rel @p4 .LBB2_13-.Ltmp5, $2  }
0x114: {  	v5 =	vor.u32 v7, v5;
	_ =	sdelay $0x2  }
0x115: {  	s26 =	sadd.s32 $0x10, s26;
	s28 =	sand.u32 $0x380, s25  }
0x116: {  	_ =	sdelay $0x3  }
0x117: {  	s26 =	sand.u32 $0x70, s25;
	s24 =	sadd.s32 s28, s24  }
0x118: {  	[tilespmem:v5+s14+$0x0] =	vst.idx.msk vm0, v4;
	s24 =	sadd.s32 s26, s24  }
0x119: {  	v5 =	vld [tilespmem:s24+$0x0];
	_ =	sdelay $0x2  }
0x11a: {  	v6 =	vmov s25;
	v7 =	vor.u32 s25, v3  }
0x11b: {  	v7 =	vand.u32 $0x7F, v7;
	v6 =	vshll.u32 v6, $0x3  }
0x11c: {  	v6 =	vand.u32 $0x1C00, v6;
	v8 =	vsub.s32 v5, v0;
	v5 =	vshll.u32 v5, $0x7  }
0x11d: {  	v6 =	vor.u32 v6, v7;
	v9 =	vshll.u32 v8, $0xA;
	v5 =	vand.u32 $0x380, v5  }
0x11e: {  	vm0 =	vlt.u32 v8, v1;
	v7 =	vand.u32 $0xFFFFE000, v9;
	v5 =	vor.u32 v5, v6  }
0x11f: {  	v5 =	vor.u32 v7, v5;
	_ =	sdelay $0x4  }
0x120: {  	s28 =	sadd.s32 s23, s4;
	[tilespmem:v5+s14+$0x0] =	vst.idx.msk vm0, v4  }
0x121: {  	[hbm4b:s28+s3] =	stream.linear.scatter [tilespmem:s14], [sflag:$0x1], $0x2000, $0x38;
	[tilespmem:$0x14000] =	vst v63  }
0x122: {  	s25 =	simm.s32 @!p0 $0x0;
	s26 =	simm.s32 @!p0 $0x6000;
	s24 =	sadd.s32 @!p0 s23, s5  }
0x123: {  	[hbm4b:s24+s25] =	stream.linear.scatter @!p0 [tilespmem:s26], [sflag:$0x1], $0x2000, $0x38;
	[tilespmem:$0x14000] =	vst v63  }
0x124: {  	s24 =	sadd.s32 @!p1 s23, s6;
	s25 =	simm.s32 @!p1 $0x0;
	s26 =	simm.s32 @!p1 $0x8000  }
0x125: {  	[hbm4b:s24+s25] =	stream.linear.scatter @!p1 [tilespmem:s26], [sflag:$0x1], $0x2000, $0x38;
	[tilespmem:$0x14000] =	vst v63  }
0x126: {  	s23 =	sadd.s32 @!p2 s23, s7;
	s24 =	simm.s32 @!p2 $0x0;
	s25 =	simm.s32 @!p2 $0xA000  }
0x127: {  	[hbm4b:s23+s24] =	stream.linear.scatter @!p2 [tilespmem:s25], [sflag:$0x1], $0x2000, $0x38;
	[tilespmem:$0x14000] =	vst v63  }
0x128: {  	s23 =	simm.s32 @!p0 $0x2  }
0x129: {  	_ =	swait.ge @!p0 [sflag:s23], $0x2000  }
0x12a: {  	[sflag:s23] =	ssyncset.done @!p0 $0x0  }
0x12b: {  	[sflag:s23] =	ssyncadd.s32 @!p0 $0xFFFFE000  }
0x12c: {  	_ =	swait.ge @!p0 [sflag:s23], $0x2000  }
0x12d: {  	[sflag:s23] =	ssyncset.done @!p0 $0x0  }
0x12e: {  	[sflag:s23] =	ssyncadd.s32 @!p0 $0xFFFFE000;
	s23 =	simm.s32 @!p1 $0x2  }
0x12f: {  	_ =	swait.ge @!p1 [sflag:s23], $0x2000  }
0x130: {  	[sflag:s23] =	ssyncset.done @!p1 $0x0  }
0x131: {  	s29 =	simm.s32 $0x0;
	[sflag:s23] =	ssyncadd.s32 @!p1 $0xFFFFE000  }
0x132: {  	s30 =	sand.u32 $0x380, s29;
	_ =	swait.ge @p3 [sflag:s17], $0x2000  }
0x133: {  	s31 =	sand.u32 $0x70, s29;
	s24 =	sadd.s32 s30, s22;
	[sflag:s17] =	ssyncset.done @p3 $0x0  }
0x134: {  	s24 =	sadd.s32 s31, s24;
	[sflag:s17] =	ssyncadd.s32 @p3 $0xFFFFE000  }
0x135: {  	v5 =	vld [tilespmem:s24+$0x400];
	_ =	sdelay $0x2  }
0x136: {  	v6 =	vmov s29;
	v7 =	vor.u32 s29, v3  }
0x137: {  	v6 =	vshll.u32 v6, $0x3;
	v7 =	vand.u32 $0x7F, v7  }
0x138: {  	v6 =	vand.u32 $0x1C00, v6;
	v62 =	vsub.s32 v5, v0;
	v5 =	vshll.u32 v5, $0x7  }
0x139: {  	v6 =	vor.u32 v6, v7;
	v63 =	vshll.u32 v62, $0xA;
	v5 =	vand.u32 $0x380, v5  }
0x13a: {  	vm0 =	vlt.u32 v62, v1;
	v7 =	vand.u32 $0xFFFFE000, v63;
	v5 =	vor.u32 v5, v6  }
0x13b: {  	v5 =	vor.u32 v7, v5;
	_ =	sdelay $0x1  }
0x13c: {  	s23 =	simm.s32 $0x10  }
0x13d: {  	s25 =	sand.u32 $0x380, s23;
	s24 =	simm.s32 $0x20  }
.LBB2_15:
0x13e: {  	p4 =	sne.s32 s24, $0x3F0;
	s26 =	sand.u32 $0x70, s23;
	s25 =	sadd.s32 s25, s22  }
0x13f: {  	s25 =	sadd.s32 s26, s25;
	[tilespmem:v5+s15+$0x0] =	vst.idx.msk vm0, v2  }
0x140: {  	v5 =	vld [tilespmem:s25+$0x400];
	_ =	sdelay $0x2  }
0x141: {  	v6 =	vmov s23;
	v7 =	vor.u32 s23, v3;
	s23 =	smov.u32 s24  }
0x142: {  	v7 =	vand.u32 $0x7F, v7;
	v6 =	vshll.u32 v6, $0x3  }
0x143: {  	v6 =	vand.u32 $0x1C00, v6;
	v8 =	vsub.s32 v5, v0;
	v5 =	vshll.u32 v5, $0x7  }
0x144: {  	v6 =	vor.u32 v6, v7;
	v9 =	vshll.u32 v8, $0xA;
	v5 =	vand.u32 $0x380, v5  }
.Ltmp6:
0x145: {  	vm0 =	vlt.u32 v8, v1;
	v7 =	vand.u32 $0xFFFFE000, v9;
	v5 =	vor.u32 v5, v6;
	(pc) =	sbr.rel @p4 .LBB2_15-.Ltmp6, $2  }
0x146: {  	v5 =	vor.u32 v7, v5;
	_ =	sdelay $0x2  }
0x147: {  	s24 =	sadd.s32 $0x10, s24;
	s25 =	sand.u32 $0x380, s23  }
0x148: {  	_ =	sdelay $0x3  }
0x149: {  	s24 =	sand.u32 $0x70, s23;
	s22 =	sadd.s32 s25, s22  }
0x14a: {  	[tilespmem:v5+s15+$0x0] =	vst.idx.msk vm0, v2;
	s22 =	sadd.s32 s24, s22  }
0x14b: {  	v5 =	vld [tilespmem:s22+$0x400];
	_ =	sdelay $0x2  }
0x14c: {  	v6 =	vmov s23;
	v7 =	vor.u32 s23, v3  }
0x14d: {  	v7 =	vand.u32 $0x7F, v7;
	v6 =	vshll.u32 v6, $0x3  }
0x14e: {  	v6 =	vand.u32 $0x1C00, v6;
	v8 =	vsub.s32 v5, v0;
	v5 =	vshll.u32 v5, $0x7  }
0x14f: {  	v6 =	vor.u32 v6, v7;
	v9 =	vshll.u32 v8, $0xA;
	v5 =	vand.u32 $0x380, v5  }
0x150: {  	vm0 =	vlt.u32 v8, v1;
	v7 =	vand.u32 $0xFFFFE000, v9;
	v5 =	vor.u32 v5, v6  }
0x151: {  	v5 =	vor.u32 v7, v5  }
0x152: {  	s21 =	sadd.s32 $0x3, s21  }
0x153: {  	s29 =	simm.s32 $0x0;
	s21 =	sshll.u32 s21, $0xA  }
0x154: {  	s30 =	sand.u32 $0x380, s29;
	s22 =	sand.u32 $0x3FFFFC00, s21  }
0x155: {  	s31 =	sand.u32 $0x70, s29;
	s24 =	sadd.s32 s30, s22  }
0x156: {  	s24 =	sadd.s32 s31, s24;
	[tilespmem:v5+s15+$0x0] =	vst.idx.msk vm0, v2  }
0x157: {  	v5 =	vld [tilespmem:s24+$0x0];
	_ =	sdelay $0x2  }
0x158: {  	v6 =	vmov s29;
	v7 =	vor.u32 s29, v3  }
0x159: {  	v6 =	vshll.u32 v6, $0x3;
	v7 =	vand.u32 $0x7F, v7  }
0x15a: {  	v6 =	vand.u32 $0x1C00, v6;
	v62 =	vsub.s32 v5, v0;
	v5 =	vshll.u32 v5, $0x7  }
0x15b: {  	v6 =	vor.u32 v6, v7;
	v63 =	vshll.u32 v62, $0xA;
	v5 =	vand.u32 $0x380, v5  }
0x15c: {  	vm0 =	vlt.u32 v62, v1;
	v7 =	vand.u32 $0xFFFFE000, v63;
	v5 =	vor.u32 v5, v6  }
0x15d: {  	v5 =	vor.u32 v7, v5;
	_ =	sdelay $0x1  }
0x15e: {  	s23 =	simm.s32 $0x10  }
0x15f: {  	s25 =	sand.u32 $0x380, s23;
	s24 =	simm.s32 $0x20  }
.LBB2_17:
0x160: {  	p4 =	sne.s32 s24, $0x3F0;
	s26 =	sand.u32 $0x70, s23;
	s25 =	sadd.s32 s25, s22  }
0x161: {  	s25 =	sadd.s32 s26, s25;
	[tilespmem:v5+s15+$0x0] =	vst.idx.msk vm0, v4  }
0x162: {  	v5 =	vld [tilespmem:s25+$0x0];
	_ =	sdelay $0x2  }
0x163: {  	v6 =	vmov s23;
	v7 =	vor.u32 s23, v3;
	s23 =	smov.u32 s24  }
0x164: {  	v7 =	vand.u32 $0x7F, v7;
	v6 =	vshll.u32 v6, $0x3  }
0x165: {  	v6 =	vand.u32 $0x1C00, v6;
	v8 =	vsub.s32 v5, v0;
	v5 =	vshll.u32 v5, $0x7  }
0x166: {  	v6 =	vor.u32 v6, v7;
	v9 =	vshll.u32 v8, $0xA;
	v5 =	vand.u32 $0x380, v5  }
.Ltmp7:
0x167: {  	vm0 =	vlt.u32 v8, v1;
	v7 =	vand.u32 $0xFFFFE000, v9;
	v5 =	vor.u32 v5, v6;
	(pc) =	sbr.rel @p4 .LBB2_17-.Ltmp7, $2  }
0x168: {  	v5 =	vor.u32 v7, v5;
	_ =	sdelay $0x2  }
0x169: {  	s24 =	sadd.s32 $0x10, s24;
	s25 =	sand.u32 $0x380, s23  }
0x16a: {  	_ =	sdelay $0x3  }
0x16b: {  	s24 =	sand.u32 $0x70, s23;
	s22 =	sadd.s32 s25, s22  }
0x16c: {  	[tilespmem:v5+s15+$0x0] =	vst.idx.msk vm0, v4;
	s22 =	sadd.s32 s24, s22  }
0x16d: {  	v5 =	vld [tilespmem:s22+$0x0];
	_ =	sdelay $0x2  }
0x16e: {  	v6 =	vmov s23;
	v7 =	vor.u32 s23, v3  }
0x16f: {  	v7 =	vand.u32 $0x7F, v7;
	v6 =	vshll.u32 v6, $0x3  }
0x170: {  	v6 =	vand.u32 $0x1C00, v6;
	v8 =	vsub.s32 v5, v0;
	v5 =	vshll.u32 v5, $0x7  }
0x171: {  	v6 =	vor.u32 v6, v7;
	v9 =	vshll.u32 v8, $0xA;
	v5 =	vand.u32 $0x380, v5  }
0x172: {  	vm15 =	vlt.u32 v8, v1;
	v7 =	vand.u32 $0xFFFFE000, v9;
	v5 =	vor.u32 v5, v6  }
0x173: {  	v5 =	vor.u32 v7, v5;
	_ =	sdelay $0x4  }
0x174: {  	s31 =	sadd.s32 s21, s4;
	s23 =	simm.s32 @!p0 $0x0;
	s20 =	sadd.s32 $0x1, s20;
	[tilespmem:v5+s15+$0x0] =	vst.idx.msk vm15, v4  }
0x175: {  	[hbm4b:s31+s3] =	stream.linear.scatter [tilespmem:s15], [sflag:$0x2], $0x2000, $0x38;
	[tilespmem:$0x14000] =	vst v63  }
0x176: {  	s24 =	simm.s32 @!p0 $0xE000;
	p4 =	sne.s32 s20, $0x7;
	s22 =	sadd.s32 @!p0 s21, s5  }
0x177: {  	[hbm4b:s22+s23] =	stream.linear.scatter @!p0 [tilespmem:s24], [sflag:$0x2], $0x2000, $0x38;
	[tilespmem:$0x14000] =	vst v63  }
.Ltmp8:
0x178: {  	_ = 	snop;
	(pc) =	sbr.rel @p4 .LBB2_10-.Ltmp8, $4  }
0x179: {  	s22 =	sadd.s32 @!p1 s21, s6;
	s23 =	simm.s32 @!p1 $0x0;
	s24 =	simm.s32 @!p1 $0x10000  }
0x17a: {  	[hbm4b:s22+s23] =	stream.linear.scatter @!p1 [tilespmem:s24], [sflag:$0x2], $0x2000, $0x38;
	[tilespmem:$0x14000] =	vst v63  }
0x17b: {  	s21 =	sadd.s32 @!p2 s21, s7;
	s22 =	simm.s32 @!p2 $0x0;
	s23 =	simm.s32 @!p2 $0x12000  }
0x17c: {  	[hbm4b:s21+s22] =	stream.linear.scatter @!p2 [tilespmem:s23], [sflag:$0x2], $0x2000, $0x38;
	[tilespmem:$0x14000] =	vst v63  }
0x17d: {  	_ =	swait.ge [sflag:s16], $0x2000  }
0x17e: {  	[sflag:s16] =	ssyncset.done $0x0  }
0x17f: {  	s19 =	simm.s32 @!p0 $0x1;
	[sflag:s16] =	ssyncadd.s32 $0xFFFFE000  }
0x180: {  	_ =	swait.ge @!p0 [sflag:s19], $0x2000  }
0x181: {  	[sflag:s19] =	ssyncset.done @!p0 $0x0  }
0x182: {  	[sflag:s19] =	ssyncadd.s32 @!p0 $0xFFFFE000;
	s19 =	simm.s32 @!p1 $0x1  }
0x183: {  	_ =	swait.ge @!p1 [sflag:s19], $0x2000  }
0x184: {  	[sflag:s19] =	ssyncset.done @!p1 $0x0  }
0x185: {  	[sflag:s19] =	ssyncadd.s32 @!p1 $0xFFFFE000;
	s19 =	simm.s32 @!p2 $0x1  }
0x186: {  	_ =	swait.ge @!p2 [sflag:s19], $0x2000  }
0x187: {  	[sflag:s19] =	ssyncset.done @!p2 $0x0  }
0x188: {  	[sflag:s19] =	ssyncadd.s32 @!p2 $0xFFFFE000;
	s19 =	simm.s32 @!p0 $0x2  }
0x189: {  	_ =	swait.ge @!p0 [sflag:s19], $0x2000  }
0x18a: {  	[sflag:s19] =	ssyncset.done @!p0 $0x0  }
0x18b: {  	[sflag:s19] =	ssyncadd.s32 @!p0 $0xFFFFE000  }
0x18c: {  	_ =	swait.ge @!p0 [sflag:s19], $0x2000  }
0x18d: {  	[sflag:s19] =	ssyncset.done @!p0 $0x0  }
0x18e: {  	s18 =	sadd.s32 $0x1, s18;
	[sflag:s19] =	ssyncadd.s32 @!p0 $0xFFFFE000;
	s19 =	simm.s32 @!p1 $0x2  }
0x18f: {  	p4 =	sne.s32 s18, s12;
	_ =	swait.ge @!p1 [sflag:s19], $0x2000  }
.Ltmp9:
0x190: {  	[sflag:s19] =	ssyncset.done @!p1 $0x0;
	(pc) =	sbr.rel @p4 .LBB2_1-.Ltmp9, $4  }
0x191: {  	[sflag:s19] =	ssyncadd.s32 @!p1 $0xFFFFE000  }
0x192: {  	_ =	swait.ge @p3 [sflag:s17], $0x2000  }
0x193: {  	[sflag:s17] =	ssyncset.done @p3 $0x0  }
0x194: {  	[sflag:s17] =	ssyncadd.s32 @p3 $0xFFFFE000  }
0x195: {  	_ =	sfence.sel $0x180000  }
0x196: {  	[bflag:$0x0] =	sbarrier.arrive $0xFFFF  }
0x197: {  	p0 =	sne.s32 s1, $0x0;
	_ =	strace $0x90000047  }
0x198: {  	s0 =	sadd.s32 @!p0 $0x100000, s0;
	[bflag:$0x2] =	sbarrier.arrive $0xFFFF  }
0x199: {  	[sflag:s0] =	ssyncadd.tile.s32 @!p0 $0x1;
	_ =	shalt  }
.Lfunc_end2:
_tile_overlayer_lowered:
.L_overlay_start_2:
0x19a: {  	(tag) =	ssettag $0x2  }
0x19b: {  	s0 =	rddreg [dreg:$0x0];
	s2 =	stileid.u32  }
0x19c: {  	s1 =	rddreg [dreg:$0x1];
	p0 =	sne.s32 s2, $0x0  }
0x19d: {  	s3 =	rddreg [dreg:$0x2];
	[bflag:$0x3] =	sbarrier.arrive $0xFFFF;
	s2 =	simm.s32 @!p0 $0x1C04  }
0x19e: {  	[timem:s3], [sflag:s2] =	dma.local @!p0 [hbm:s0], s1  }
0x19f: {  	s0 =	simm.s32 @!p0 $0x4  }
0x1a0: {  	_ =	swait.ge @!p0 [sflag:s0], s1  }
0x1a1: {  	s1 =	ssub.s32 @!p0 $0x0, s1;
	[sflag:s0] =	ssyncset.done @!p0 $0x0  }
0x1a2: {  	[sflag:s0] =	ssyncadd.s32 @!p0 s1  }
0x1a3: {  	[bflag:$0x3] =	sbarrier.arrive $0xFFFF  }
0x1a4: {  	_ =	shalt  }

</sc_bundles>
